<compile_context>
chip_gen: v7x
topology: tpu7x:2x2x1
jax: 0.10.2.dev20260603
libtpu: 0.0.44.dev20260713+nightly
codegen_flags: <defaults>
</compile_context>

<pallas_src>
import jax
import jax.numpy as jnp
from jax import lax
from jax.experimental import pallas as pl
from jax.experimental.pallas import tpu as pltpu
from jax.experimental.pallas import tpu_sc as plsc

L = 4096
N = 16
K = 1024
LANES = 16
HALF = L // 2
HCHUNKS = HALF // LANES
NACC = 8
GROUPS = HCHUNKS // NACC
BIG = 2**30


def _fps_body(xs_hbm, ys_hbm, zs_hbm, out_hbm,
              x_v, y_v, z_v, dist_v, sel_v, xch_sm):
    c = lax.axis_index("c")
    s = lax.axis_index("s")
    cloud = c * 8 + lax.shift_right_logical(s, 1)
    h = jnp.bitwise_and(s, 1)

    pltpu.sync_copy(xs_hbm.at[cloud], x_v)
    pltpu.sync_copy(ys_hbm.at[cloud], y_v)
    pltpu.sync_copy(zs_hbm.at[cloud], z_v)

    lane = lax.iota(jnp.int32, 16)
    lane0 = lane == 0
    zero16 = jnp.zeros((16,), dtype=jnp.int32)
    inf16 = jnp.full((16,), jnp.inf, dtype=jnp.float32)
    neg_inf16 = jnp.full((16,), -jnp.inf, dtype=jnp.float32)
    base = h * HALF
    lane_off = lane + base

    @plsc.parallel_loop(0, HCHUNKS, unroll=8)
    def init_body(ch):
        dist_v[pl.ds(ch * 16, 16)] = inf16

    @pl.when(h == 0)
    def _():
        plsc.store_scatter(sel_v, [zero16], zero16, mask=lane0)

    xch_sm[0] = jnp.int32(0)
    xch_sm[1] = jnp.int32(0)
    xch_sm[2] = jnp.int32(0)
    xch_sm[3] = jnp.int32(0)
    plsc.subcore_barrier()
    partner = jnp.bitwise_xor(s, 1)

    def step(i, j_prev):
        jv = jnp.full((16,), j_prev, dtype=jnp.int32)
        lastx = plsc.load_gather(x_v, [jv])
        lasty = plsc.load_gather(y_v, [jv])
        lastz = plsc.load_gather(z_v, [jv])

        init_carry = ((neg_inf16,) * NACC, (zero16,) * NACC)

        @plsc.parallel_loop(0, GROUPS, unroll=2, carry=init_carry)
        def chunk(g, carry):
            vmaxs, vcbs = carry
            vmaxs, vcbs = list(vmaxs), list(vcbs)
            gvec = jnp.full((16,), g, dtype=jnp.int32)
            for j in range(NACC):
                off = (g * NACC + j) * 16
                sl = pl.ds(off, 16)
                sg = pl.ds(base + off, 16)
                dx = x_v[sg] - lastx
                dy = y_v[sg] - lasty
                dz = z_v[sg] - lastz
                d = (dx * dx + dy * dy) + dz * dz
                dn = jnp.minimum(dist_v[sl], d)
                dist_v[sl] = dn
                m = dn > vmaxs[j]
                vmaxs[j] = jnp.where(m, dn, vmaxs[j])
                vcbs[j] = jnp.where(m, gvec, vcbs[j])
            return (tuple(vmaxs), tuple(vcbs))

        vmaxs, vcbs = chunk
        pairs = [
            (vmaxs[j], vcbs[j] * (NACC * 16) + (j * 16) + lane_off)
            for j in range(NACC)
        ]

        def merge(a, b):
            av, ai = a
            bv, bi = b
            m = (av > bv) | ((av == bv) & (ai < bi))
            return (jnp.where(m, av, bv), jnp.where(m, ai, bi))

        while len(pairs) > 1:
            pairs = [merge(pairs[k], pairs[k + 1])
                     for k in range(0, len(pairs), 2)]
        vmax, vidx = pairs[0]
        mx = jnp.max(vmax)
        cand = jnp.where(vmax == mx, vidx, jnp.int32(BIG))
        nxt = jnp.min(cand)

        mb = lax.bitcast_convert_type(mx, jnp.int32)
        par2 = jnp.bitwise_and(i, 1) * 2
        plsc.fetch_and_add(xch_sm.at[par2], mb, subcore_id=partner)
        plsc.fetch_and_add(xch_sm.at[par2 + 1], nxt, subcore_id=partner)
        plsc.subcore_barrier()
        ob = xch_sm[par2]
        oi = xch_sm[par2 + 1]
        xch_sm[par2] = jnp.int32(0)
        xch_sm[par2 + 1] = jnp.int32(0)
        m = (ob > mb) | ((ob == mb) & (oi < nxt))
        win = jnp.where(m, oi, nxt)

        @pl.when(h == 0)
        def _():
            plsc.store_scatter(
                sel_v, [jnp.full((16,), i, dtype=jnp.int32)],
                jnp.full((16,), win, dtype=jnp.int32),
                mask=lane0,
            )

        return win

    lax.fori_loop(1, K, step, jnp.int32(0))

    @pl.when(h == 0)
    def _():
        pltpu.sync_copy(sel_v, out_hbm.at[cloud])


@jax.jit
def _fps_all(xs, ys, zs):
    mesh = plsc.VectorSubcoreMesh(core_axis_name="c", subcore_axis_name="s")
    return pl.kernel(
        _fps_body,
        out_type=jax.ShapeDtypeStruct((N, K), jnp.int32),
        mesh=mesh,
        compiler_params=pltpu.CompilerParams(needs_layout_passes=False),
        scratch_types=[
            pltpu.VMEM((L,), jnp.float32),
            pltpu.VMEM((L,), jnp.float32),
            pltpu.VMEM((L,), jnp.float32),
            pltpu.VMEM((HALF,), jnp.float32),
            pltpu.VMEM((K,), jnp.int32),
            pltpu.SMEM((4,), jnp.int32),
        ],
    )(xs, ys, zs)


def kernel(coords):
    c = jax.lax.stop_gradient(coords)
    pts = jnp.transpose(c, (1, 2, 0))
    xs = pts[:, 0, :]
    ys = pts[:, 1, :]
    zs = pts[:, 2, :]
    keep = _fps_all(xs, ys, zs)
    keep = jnp.transpose(keep, (1, 0))
    gk, gn = jnp.meshgrid(jnp.arange(K), jnp.arange(N), indexing="ij")
    return (
        keep.reshape(-1).astype(jnp.int64),
        gn.reshape(-1).astype(jnp.int64),
    )

# --- scband reference (transcript-rebuilt; emitter-appended) ---
"""Pipeline reference for scband-farthest-points-decimate-29472065585600 (READ-ONLY COPY).

The authoritative reference and input builder live on the scoring server;
editing this copy changes nothing except your own understanding.
"""

import jax, jax.numpy as jnp
import numpy as np

RATIO = 0.25


def _fps_single(pts, K):
    # pts: [L, C]. Iterative farthest point sampling starting at index 0
    # (deterministic start, matching torch_cluster.fps(random_start=False) semantics).
    L = pts.shape[0]

    def body(i, state):
        dist, sel = state
        last = pts[sel[i - 1]]
        d = jnp.sum((pts - last) ** 2, axis=-1)
        dist = jnp.minimum(dist, d)
        nxt = jnp.argmax(dist).astype(jnp.int32)
        sel = sel.at[i].set(nxt)
        return (dist, sel)

    dist0 = jnp.full((L,), jnp.inf, dtype=pts.dtype)
    sel0 = jnp.zeros((K,), dtype=jnp.int32)
    _, sel = jax.lax.fori_loop(1, K, body, (dist0, sel0))
    return sel


def setup_inputs(seed: int = 0) -> dict:
    key = jax.random.key(seed)
    coords = jax.random.normal(key, (4096, 16, 3), dtype=jnp.float32)
    return {"coords": coords}


def reference(coords):
    # coords: [L, N, C]
    L, N, C = coords.shape
    K = int(np.ceil(RATIO * L))
    # forward runs under no_grad in the original module
    c = jax.lax.stop_gradient(coords)
    # swapdims(0,1) + flatten_batch: process each of the N clouds of L points
    pts = jnp.transpose(c, (1, 0, 2))  # [N, L, C]
    keep = jax.vmap(lambda p: _fps_single(p, K))(pts)  # [N, K] local indices in [0, L)
    # keep.view(N, -1).swapdims(0, 1).fmod_(L): indices here are already local, fmod is a no-op
    keep = jnp.transpose(keep, (1, 0))  # [K, N]
    gk, gn = jnp.meshgrid(jnp.arange(K), jnp.arange(N), indexing='ij')
    indices = (keep.reshape(-1).astype(jnp.int64), gn.reshape(-1).astype(jnp.int64))
    return indices

if __name__ == "__main__":
    import jax
    _d = setup_inputs()
    print(jax.jit(kernel)(*tuple(_d.values())))

</pallas_src>

<mosaic_0001>
#map = affine_map<(d0, d1) -> (0, 0)>
module attributes {stable_mosaic.version = 14 : i64} {
  func.func @_fps_body(%arg0: i32, %arg1: i32, %arg2: memref<16x4096xf32, #tpu.memory_space<hbm>>, %arg3: memref<16x4096xf32, #tpu.memory_space<hbm>>, %arg4: memref<16x4096xf32, #tpu.memory_space<hbm>>, %arg5: memref<16x1024xi32, #tpu.memory_space<hbm>>, %arg6: memref<4096xf32, #tpu.memory_space<vmem>>, %arg7: memref<4096xf32, #tpu.memory_space<vmem>>, %arg8: memref<4096xf32, #tpu.memory_space<vmem>>, %arg9: memref<2048xf32, #tpu.memory_space<vmem>>, %arg10: memref<1024xi32, #tpu.memory_space<vmem>>, %arg11: memref<4xi32, #tpu.memory_space<smem>>) attributes {dimension_semantics = [#tpu.dimension_semantics<core_parallel>, #tpu.dimension_semantics<subcore_parallel>], iteration_bounds = array<i64: 2, 16>, scalar_prefetch = 0 : i64, scratch_operands = 6 : i64, tpu.core_type = #tpu.core_type<sc_vector_subcore>, window_params = [{transform_indices = #map}, {transform_indices = #map}, {transform_indices = #map}, {transform_indices = #map}]} {
    %mul3A = arith.constant 8 : i32
    %mul3A_0 = arith.muli %arg0, %mul3A : i32
    %shift_right_logical3A = arith.constant 1 : i32
    %shift_right_logical3A_1 = arith.shrui %arg1, %shift_right_logical3A : i32
    %add3A = arith.addi %mul3A_0, %shift_right_logical3A_1 : i32
    %and3A = arith.constant 1 : i32
    %and3A_2 = arith.andi %arg1, %and3A : i32
    "tpu.region"() ({
      %run_scoped3A = tpu.sem_alloc : memref<!tpu.dma_semaphore, #tpu.memory_space<semaphore_mem>>
      %dma_start3A = arith.constant 0 : i32
      %dma_start3A_46 = tpu.memref_slice %arg2[%add3A, %dma_start3A] : memref<16x4096xf32, #tpu.memory_space<hbm>> -> memref<1x4096xf32, #tpu.memory_space<hbm>>
      %dma_start3A_47 = tpu.memref_squeeze %dma_start3A_46 : memref<1x4096xf32, #tpu.memory_space<hbm>> -> memref<4096xf32, #tpu.memory_space<hbm>>
      %dma_start3A_48 = arith.constant 0 : i32
      %dma_start3A_49 = tpu.memref_slice %arg2[%add3A, %dma_start3A_48] : memref<16x4096xf32, #tpu.memory_space<hbm>> -> memref<1x4096xf32, #tpu.memory_space<hbm>>
      %dma_start3A_50 = tpu.memref_squeeze %dma_start3A_49 : memref<1x4096xf32, #tpu.memory_space<hbm>> -> memref<4096xf32, #tpu.memory_space<hbm>>
      tpu.enqueue_dma source(%dma_start3A_50 : memref<4096xf32, #tpu.memory_space<hbm>>) target(%arg6 : memref<4096xf32, #tpu.memory_space<vmem>>) target_semaphore(%run_scoped3A : memref<!tpu.dma_semaphore, #tpu.memory_space<semaphore_mem>>)
      %dma_wait3A = arith.constant 0 : i32
      %dma_wait3A_51 = tpu.memref_slice %arg2[%add3A, %dma_wait3A] : memref<16x4096xf32, #tpu.memory_space<hbm>> -> memref<1x4096xf32, #tpu.memory_space<hbm>>
      %dma_wait3A_52 = tpu.memref_squeeze %dma_wait3A_51 : memref<1x4096xf32, #tpu.memory_space<hbm>> -> memref<4096xf32, #tpu.memory_space<hbm>>
      %dma_wait3A_53 = arith.constant 0 : i32
      %dma_wait3A_54 = tpu.memref_slice %arg2[%add3A, %dma_wait3A_53] : memref<16x4096xf32, #tpu.memory_space<hbm>> -> memref<1x4096xf32, #tpu.memory_space<hbm>>
      %dma_wait3A_55 = tpu.memref_squeeze %dma_wait3A_54 : memref<1x4096xf32, #tpu.memory_space<hbm>> -> memref<4096xf32, #tpu.memory_space<hbm>>
      tpu.wait_dma2 semaphore(%run_scoped3A : memref<!tpu.dma_semaphore, #tpu.memory_space<semaphore_mem>>) src(%dma_wait3A_55 : memref<4096xf32, #tpu.memory_space<hbm>>) dst(%arg6 : memref<4096xf32, #tpu.memory_space<vmem>>)
      tpu.yield
    }) : () -> ()
    "tpu.region"() ({
      %run_scoped3A = tpu.sem_alloc : memref<!tpu.dma_semaphore, #tpu.memory_space<semaphore_mem>>
      %dma_start3A = arith.constant 0 : i32
      %dma_start3A_46 = tpu.memref_slice %arg3[%add3A, %dma_start3A] : memref<16x4096xf32, #tpu.memory_space<hbm>> -> memref<1x4096xf32, #tpu.memory_space<hbm>>
      %dma_start3A_47 = tpu.memref_squeeze %dma_start3A_46 : memref<1x4096xf32, #tpu.memory_space<hbm>> -> memref<4096xf32, #tpu.memory_space<hbm>>
      %dma_start3A_48 = arith.constant 0 : i32
      %dma_start3A_49 = tpu.memref_slice %arg3[%add3A, %dma_start3A_48] : memref<16x4096xf32, #tpu.memory_space<hbm>> -> memref<1x4096xf32, #tpu.memory_space<hbm>>
      %dma_start3A_50 = tpu.memref_squeeze %dma_start3A_49 : memref<1x4096xf32, #tpu.memory_space<hbm>> -> memref<4096xf32, #tpu.memory_space<hbm>>
      tpu.enqueue_dma source(%dma_start3A_50 : memref<4096xf32, #tpu.memory_space<hbm>>) target(%arg7 : memref<4096xf32, #tpu.memory_space<vmem>>) target_semaphore(%run_scoped3A : memref<!tpu.dma_semaphore, #tpu.memory_space<semaphore_mem>>)
      %dma_wait3A = arith.constant 0 : i32
      %dma_wait3A_51 = tpu.memref_slice %arg3[%add3A, %dma_wait3A] : memref<16x4096xf32, #tpu.memory_space<hbm>> -> memref<1x4096xf32, #tpu.memory_space<hbm>>
      %dma_wait3A_52 = tpu.memref_squeeze %dma_wait3A_51 : memref<1x4096xf32, #tpu.memory_space<hbm>> -> memref<4096xf32, #tpu.memory_space<hbm>>
      %dma_wait3A_53 = arith.constant 0 : i32
      %dma_wait3A_54 = tpu.memref_slice %arg3[%add3A, %dma_wait3A_53] : memref<16x4096xf32, #tpu.memory_space<hbm>> -> memref<1x4096xf32, #tpu.memory_space<hbm>>
      %dma_wait3A_55 = tpu.memref_squeeze %dma_wait3A_54 : memref<1x4096xf32, #tpu.memory_space<hbm>> -> memref<4096xf32, #tpu.memory_space<hbm>>
      tpu.wait_dma2 semaphore(%run_scoped3A : memref<!tpu.dma_semaphore, #tpu.memory_space<semaphore_mem>>) src(%dma_wait3A_55 : memref<4096xf32, #tpu.memory_space<hbm>>) dst(%arg7 : memref<4096xf32, #tpu.memory_space<vmem>>)
      tpu.yield
    }) : () -> ()
    "tpu.region"() ({
      %run_scoped3A = tpu.sem_alloc : memref<!tpu.dma_semaphore, #tpu.memory_space<semaphore_mem>>
      %dma_start3A = arith.constant 0 : i32
      %dma_start3A_46 = tpu.memref_slice %arg4[%add3A, %dma_start3A] : memref<16x4096xf32, #tpu.memory_space<hbm>> -> memref<1x4096xf32, #tpu.memory_space<hbm>>
      %dma_start3A_47 = tpu.memref_squeeze %dma_start3A_46 : memref<1x4096xf32, #tpu.memory_space<hbm>> -> memref<4096xf32, #tpu.memory_space<hbm>>
      %dma_start3A_48 = arith.constant 0 : i32
      %dma_start3A_49 = tpu.memref_slice %arg4[%add3A, %dma_start3A_48] : memref<16x4096xf32, #tpu.memory_space<hbm>> -> memref<1x4096xf32, #tpu.memory_space<hbm>>
      %dma_start3A_50 = tpu.memref_squeeze %dma_start3A_49 : memref<1x4096xf32, #tpu.memory_space<hbm>> -> memref<4096xf32, #tpu.memory_space<hbm>>
      tpu.enqueue_dma source(%dma_start3A_50 : memref<4096xf32, #tpu.memory_space<hbm>>) target(%arg8 : memref<4096xf32, #tpu.memory_space<vmem>>) target_semaphore(%run_scoped3A : memref<!tpu.dma_semaphore, #tpu.memory_space<semaphore_mem>>)
      %dma_wait3A = arith.constant 0 : i32
      %dma_wait3A_51 = tpu.memref_slice %arg4[%add3A, %dma_wait3A] : memref<16x4096xf32, #tpu.memory_space<hbm>> -> memref<1x4096xf32, #tpu.memory_space<hbm>>
      %dma_wait3A_52 = tpu.memref_squeeze %dma_wait3A_51 : memref<1x4096xf32, #tpu.memory_space<hbm>> -> memref<4096xf32, #tpu.memory_space<hbm>>
      %dma_wait3A_53 = arith.constant 0 : i32
      %dma_wait3A_54 = tpu.memref_slice %arg4[%add3A, %dma_wait3A_53] : memref<16x4096xf32, #tpu.memory_space<hbm>> -> memref<1x4096xf32, #tpu.memory_space<hbm>>
      %dma_wait3A_55 = tpu.memref_squeeze %dma_wait3A_54 : memref<1x4096xf32, #tpu.memory_space<hbm>> -> memref<4096xf32, #tpu.memory_space<hbm>>
      tpu.wait_dma2 semaphore(%run_scoped3A : memref<!tpu.dma_semaphore, #tpu.memory_space<semaphore_mem>>) src(%dma_wait3A_55 : memref<4096xf32, #tpu.memory_space<hbm>>) dst(%arg8 : memref<4096xf32, #tpu.memory_space<vmem>>)
      tpu.yield
    }) : () -> ()
    %iota3A = tpu.iota {dimensions = array<i32: 0>} : vector<16xi32>
    %eq3A = arith.constant 0 : i32
    %eq3A_3 = vector.broadcast %eq3A : i32 to vector<16xi32>
    %eq3A_4 = arith.cmpi eq, %iota3A, %eq3A_3 : vector<16xi32>
    %broadcast_in_dim3A = arith.constant 0 : i32
    %broadcast_in_dim3A_5 = vector.broadcast %broadcast_in_dim3A : i32 to vector<16xi32>
    %broadcast_in_dim3A_6 = arith.constant 0x7F800000 : f32
    %broadcast_in_dim3A_7 = vector.broadcast %broadcast_in_dim3A_6 : f32 to vector<16xf32>
    %broadcast_in_dim3A_8 = arith.constant 0xFF800000 : f32
    %broadcast_in_dim3A_9 = vector.broadcast %broadcast_in_dim3A_8 : f32 to vector<16xf32>
    %mul3A_10 = arith.constant 2048 : i32
    %mul3A_11 = arith.muli %and3A_2, %mul3A_10 : i32
    %add3A_12 = vector.broadcast %mul3A_11 : i32 to vector<16xi32>
    %add3A_13 = arith.addi %iota3A, %add3A_12 : vector<16xi32>
    %parallel_loop3A = arith.constant 0 : i32
    %parallel_loop3A_14 = arith.constant 128 : i32
    %parallel_loop3A_15 = arith.constant 1 : i32
    scf.for %parallel_loop3A_46 = %parallel_loop3A to %parallel_loop3A_14 step %parallel_loop3A_15  : i32 {
      %parallel_loop3A_47 = arith.constant 16 : i32
      %parallel_loop3A_48 = arith.muli %parallel_loop3A_46, %parallel_loop3A_47 : i32
      %parallel_loop3A_49 = arith.index_cast %parallel_loop3A_48 : i32 to index
      %parallel_loop3A_50 = tpu.vector_load %arg9[%parallel_loop3A_49] {strides = array<i32>} : memref<2048xf32, #tpu.memory_space<vmem>>, vector<16xf32>,
      tpu.vector_store %arg9[%parallel_loop3A_49], %broadcast_in_dim3A_7 {strides = array<i32>} : memref<2048xf32, #tpu.memory_space<vmem>>, vector<16xf32>,
    } {sc.loop_unroll_factor = 8 : i64, sc.parallel_access}
    %eq3A_16 = arith.constant 0 : i32
    %eq3A_17 = arith.cmpi eq, %and3A_2, %eq3A_16 : i32
    %convert_element_type3A = arith.extui %eq3A_17 : i1 to i32
    %cond3A = arith.constant 0 : i32
    %cond3A_18 = arith.cmpi ne, %convert_element_type3A, %cond3A : i32
    scf.if %cond3A_18 {
      tpu.vector_store_idx %arg10[%broadcast_in_dim3A_5], %broadcast_in_dim3A_5 masked %eq3A_4 : memref<1024xi32, #tpu.memory_space<vmem>>[vector<16xi32>], vector<16xi32>, vector<16xi1>
    } else {
    }
    %swap3A = arith.constant 0 : i32
    %swap3A_19 = arith.constant 0 : i32
    %swap3A_20 = arith.index_cast %swap3A_19 : i32 to index
    %swap3A_21 = memref.load %arg11[%swap3A_20] : memref<4xi32, #tpu.memory_space<smem>>
    memref.store %swap3A, %arg11[%swap3A_20] : memref<4xi32, #tpu.memory_space<smem>>
    %swap3A_22 = arith.constant 0 : i32
    %swap3A_23 = arith.constant 1 : i32
    %swap3A_24 = arith.index_cast %swap3A_23 : i32 to index
    %swap3A_25 = memref.load %arg11[%swap3A_24] : memref<4xi32, #tpu.memory_space<smem>>
    memref.store %swap3A_22, %arg11[%swap3A_24] : memref<4xi32, #tpu.memory_space<smem>>
    %swap3A_26 = arith.constant 0 : i32
    %swap3A_27 = arith.constant 2 : i32
    %swap3A_28 = arith.index_cast %swap3A_27 : i32 to index
    %swap3A_29 = memref.load %arg11[%swap3A_28] : memref<4xi32, #tpu.memory_space<smem>>
    memref.store %swap3A_26, %arg11[%swap3A_28] : memref<4xi32, #tpu.memory_space<smem>>
    %swap3A_30 = arith.constant 0 : i32
    %swap3A_31 = arith.constant 3 : i32
    %swap3A_32 = arith.index_cast %swap3A_31 : i32 to index
    %swap3A_33 = memref.load %arg11[%swap3A_32] : memref<4xi32, #tpu.memory_space<smem>>
    memref.store %swap3A_30, %arg11[%swap3A_32] : memref<4xi32, #tpu.memory_space<smem>>
    %barrier3A = arith.constant 0 : index
    tpu.barrier barrier_id(%barrier3A)
    %xor3A = arith.constant 1 : i32
    %xor3A_34 = arith.xori %arg1, %xor3A : i32
    %scan3A = arith.constant 0 : i32
    %scan3A_35 = arith.constant 1 : i32
    %scan3A_36 = arith.constant 1023 : i32
    %scan3A_37 = arith.addi %scan3A_35, %scan3A_36 : i32
    %scan3A_38 = arith.constant 1 : i32
    %scan3A_39 = scf.for %scan3A_46 = %scan3A_35 to %scan3A_37 step %scan3A_38 iter_args(%scan3A_47 = %scan3A) -> (i32)  : i32 {
      %broadcast_in_dim3A_48 = vector.broadcast %scan3A_47 : i32 to vector<16xi32>
      %gather3A = tpu.vector_load_idx %arg6[%broadcast_in_dim3A_48] : memref<4096xf32, #tpu.memory_space<vmem>>[vector<16xi32>], vector<16xf32>,
      %gather3A_49 = tpu.vector_load_idx %arg7[%broadcast_in_dim3A_48] : memref<4096xf32, #tpu.memory_space<vmem>>[vector<16xi32>], vector<16xf32>,
      %gather3A_50 = tpu.vector_load_idx %arg8[%broadcast_in_dim3A_48] : memref<4096xf32, #tpu.memory_space<vmem>>[vector<16xi32>], vector<16xf32>,
      %parallel_loop3A_51 = arith.constant 0 : i32
      %parallel_loop3A_52 = arith.constant 16 : i32
      %parallel_loop3A_53 = arith.constant 1 : i32
      %parallel_loop3A_54:16 = scf.for %parallel_loop3A_202 = %parallel_loop3A_51 to %parallel_loop3A_52 step %parallel_loop3A_53 iter_args(%parallel_loop3A_203 = %broadcast_in_dim3A_9, %parallel_loop3A_204 = %broadcast_in_dim3A_9, %parallel_loop3A_205 = %broadcast_in_dim3A_9, %parallel_loop3A_206 = %broadcast_in_dim3A_9, %parallel_loop3A_207 = %broadcast_in_dim3A_9, %parallel_loop3A_208 = %broadcast_in_dim3A_9, %parallel_loop3A_209 = %broadcast_in_dim3A_9, %parallel_loop3A_210 = %broadcast_in_dim3A_9, %parallel_loop3A_211 = %broadcast_in_dim3A_5, %parallel_loop3A_212 = %broadcast_in_dim3A_5, %parallel_loop3A_213 = %broadcast_in_dim3A_5, %parallel_loop3A_214 = %broadcast_in_dim3A_5, %parallel_loop3A_215 = %broadcast_in_dim3A_5, %parallel_loop3A_216 = %broadcast_in_dim3A_5, %parallel_loop3A_217 = %broadcast_in_dim3A_5, %parallel_loop3A_218 = %broadcast_in_dim3A_5) -> (vector<16xf32>, vector<16xf32>, vector<16xf32>, vector<16xf32>, vector<16xf32>, vector<16xf32>, vector<16xf32>, vector<16xf32>, vector<16xi32>, vector<16xi32>, vector<16xi32>, vector<16xi32>, vector<16xi32>, vector<16xi32>, vector<16xi32>, vector<16xi32>)  : i32 {
        %parallel_loop3A_219 = vector.broadcast %parallel_loop3A_202 : i32 to vector<16xi32>
        %parallel_loop3A_220 = arith.constant 8 : i32
        %parallel_loop3A_221 = arith.muli %parallel_loop3A_202, %parallel_loop3A_220 : i32
        %parallel_loop3A_222 = arith.constant 0 : i32
        %parallel_loop3A_223 = arith.addi %parallel_loop3A_221, %parallel_loop3A_222 : i32
        %parallel_loop3A_224 = arith.constant 16 : i32
        %parallel_loop3A_225 = arith.muli %parallel_loop3A_223, %parallel_loop3A_224 : i32
        %parallel_loop3A_226 = arith.addi %mul3A_11, %parallel_loop3A_225 : i32
        %parallel_loop3A_227 = arith.index_cast %parallel_loop3A_226 : i32 to index
        %parallel_loop3A_228 = tpu.vector_load %arg6[%parallel_loop3A_227] {strides = array<i32>} : memref<4096xf32, #tpu.memory_space<vmem>>, vector<16xf32>,
        %parallel_loop3A_229 = arith.subf %parallel_loop3A_228, %gather3A : vector<16xf32>
        %parallel_loop3A_230 = arith.index_cast %parallel_loop3A_226 : i32 to index
        %parallel_loop3A_231 = tpu.vector_load %arg7[%parallel_loop3A_230] {strides = array<i32>} : memref<4096xf32, #tpu.memory_space<vmem>>, vector<16xf32>,
        %parallel_loop3A_232 = arith.subf %parallel_loop3A_231, %gather3A_49 : vector<16xf32>
        %parallel_loop3A_233 = arith.index_cast %parallel_loop3A_226 : i32 to index
        %parallel_loop3A_234 = tpu.vector_load %arg8[%parallel_loop3A_233] {strides = array<i32>} : memref<4096xf32, #tpu.memory_space<vmem>>, vector<16xf32>,
        %parallel_loop3A_235 = arith.subf %parallel_loop3A_234, %gather3A_50 : vector<16xf32>
        %parallel_loop3A_236 = arith.mulf %parallel_loop3A_229, %parallel_loop3A_229 : vector<16xf32>
        %parallel_loop3A_237 = arith.mulf %parallel_loop3A_232, %parallel_loop3A_232 : vector<16xf32>
        %parallel_loop3A_238 = arith.addf %parallel_loop3A_236, %parallel_loop3A_237 : vector<16xf32>
        %parallel_loop3A_239 = arith.mulf %parallel_loop3A_235, %parallel_loop3A_235 : vector<16xf32>
        %parallel_loop3A_240 = arith.addf %parallel_loop3A_238, %parallel_loop3A_239 : vector<16xf32>
        %parallel_loop3A_241 = arith.index_cast %parallel_loop3A_225 : i32 to index
        %parallel_loop3A_242 = tpu.vector_load %arg9[%parallel_loop3A_241] {strides = array<i32>} : memref<2048xf32, #tpu.memory_space<vmem>>, vector<16xf32>,
        %parallel_loop3A_243 = arith.minimumf %parallel_loop3A_242, %parallel_loop3A_240 : vector<16xf32>
        %parallel_loop3A_244 = arith.index_cast %parallel_loop3A_225 : i32 to index
        %parallel_loop3A_245 = tpu.vector_load %arg9[%parallel_loop3A_244] {strides = array<i32>} : memref<2048xf32, #tpu.memory_space<vmem>>, vector<16xf32>,
        tpu.vector_store %arg9[%parallel_loop3A_244], %parallel_loop3A_243 {strides = array<i32>} : memref<2048xf32, #tpu.memory_space<vmem>>, vector<16xf32>,
        %parallel_loop3A_246 = arith.cmpf ogt, %parallel_loop3A_243, %parallel_loop3A_203 : vector<16xf32>
        %parallel_loop3A_247 = arith.select %parallel_loop3A_246, %parallel_loop3A_243, %parallel_loop3A_203 : vector<16xi1>, vector<16xf32>
        %parallel_loop3A_248 = arith.select %parallel_loop3A_246, %parallel_loop3A_219, %parallel_loop3A_211 : vector<16xi1>, vector<16xi32>
        %parallel_loop3A_249 = arith.constant 8 : i32
        %parallel_loop3A_250 = arith.muli %parallel_loop3A_202, %parallel_loop3A_249 : i32
        %parallel_loop3A_251 = arith.constant 1 : i32
        %parallel_loop3A_252 = arith.addi %parallel_loop3A_250, %parallel_loop3A_251 : i32
        %parallel_loop3A_253 = arith.constant 16 : i32
        %parallel_loop3A_254 = arith.muli %parallel_loop3A_252, %parallel_loop3A_253 : i32
        %parallel_loop3A_255 = arith.addi %mul3A_11, %parallel_loop3A_254 : i32
        %parallel_loop3A_256 = arith.index_cast %parallel_loop3A_255 : i32 to index
        %parallel_loop3A_257 = tpu.vector_load %arg6[%parallel_loop3A_256] {strides = array<i32>} : memref<4096xf32, #tpu.memory_space<vmem>>, vector<16xf32>,
        %parallel_loop3A_258 = arith.subf %parallel_loop3A_257, %gather3A : vector<16xf32>
        %parallel_loop3A_259 = arith.index_cast %parallel_loop3A_255 : i32 to index
        %parallel_loop3A_260 = tpu.vector_load %arg7[%parallel_loop3A_259] {strides = array<i32>} : memref<4096xf32, #tpu.memory_space<vmem>>, vector<16xf32>,
        %parallel_loop3A_261 = arith.subf %parallel_loop3A_260, %gather3A_49 : vector<16xf32>
        %parallel_loop3A_262 = arith.index_cast %parallel_loop3A_255 : i32 to index
        %parallel_loop3A_263 = tpu.vector_load %arg8[%parallel_loop3A_262] {strides = array<i32>} : memref<4096xf32, #tpu.memory_space<vmem>>, vector<16xf32>,
        %parallel_loop3A_264 = arith.subf %parallel_loop3A_263, %gather3A_50 : vector<16xf32>
        %parallel_loop3A_265 = arith.mulf %parallel_loop3A_258, %parallel_loop3A_258 : vector<16xf32>
        %parallel_loop3A_266 = arith.mulf %parallel_loop3A_261, %parallel_loop3A_261 : vector<16xf32>
        %parallel_loop3A_267 = arith.addf %parallel_loop3A_265, %parallel_loop3A_266 : vector<16xf32>
        %parallel_loop3A_268 = arith.mulf %parallel_loop3A_264, %parallel_loop3A_264 : vector<16xf32>
        %parallel_loop3A_269 = arith.addf %parallel_loop3A_267, %parallel_loop3A_268 : vector<16xf32>
        %parallel_loop3A_270 = arith.index_cast %parallel_loop3A_254 : i32 to index
        %parallel_loop3A_271 = tpu.vector_load %arg9[%parallel_loop3A_270] {strides = array<i32>} : memref<2048xf32, #tpu.memory_space<vmem>>, vector<16xf32>,
        %parallel_loop3A_272 = arith.minimumf %parallel_loop3A_271, %parallel_loop3A_269 : vector<16xf32>
        %parallel_loop3A_273 = arith.index_cast %parallel_loop3A_254 : i32 to index
        %parallel_loop3A_274 = tpu.vector_load %arg9[%parallel_loop3A_273] {strides = array<i32>} : memref<2048xf32, #tpu.memory_space<vmem>>, vector<16xf32>,
        tpu.vector_store %arg9[%parallel_loop3A_273], %parallel_loop3A_272 {strides = array<i32>} : memref<2048xf32, #tpu.memory_space<vmem>>, vector<16xf32>,
        %parallel_loop3A_275 = arith.cmpf ogt, %parallel_loop3A_272, %parallel_loop3A_204 : vector<16xf32>
        %parallel_loop3A_276 = arith.select %parallel_loop3A_275, %parallel_loop3A_272, %parallel_loop3A_204 : vector<16xi1>, vector<16xf32>
        %parallel_loop3A_277 = arith.select %parallel_loop3A_275, %parallel_loop3A_219, %parallel_loop3A_212 : vector<16xi1>, vector<16xi32>
        %parallel_loop3A_278 = arith.constant 8 : i32
        %parallel_loop3A_279 = arith.muli %parallel_loop3A_202, %parallel_loop3A_278 : i32
        %parallel_loop3A_280 = arith.constant 2 : i32
        %parallel_loop3A_281 = arith.addi %parallel_loop3A_279, %parallel_loop3A_280 : i32
        %parallel_loop3A_282 = arith.constant 16 : i32
        %parallel_loop3A_283 = arith.muli %parallel_loop3A_281, %parallel_loop3A_282 : i32
        %parallel_loop3A_284 = arith.addi %mul3A_11, %parallel_loop3A_283 : i32
        %parallel_loop3A_285 = arith.index_cast %parallel_loop3A_284 : i32 to index
        %parallel_loop3A_286 = tpu.vector_load %arg6[%parallel_loop3A_285] {strides = array<i32>} : memref<4096xf32, #tpu.memory_space<vmem>>, vector<16xf32>,
        %parallel_loop3A_287 = arith.subf %parallel_loop3A_286, %gather3A : vector<16xf32>
        %parallel_loop3A_288 = arith.index_cast %parallel_loop3A_284 : i32 to index
        %parallel_loop3A_289 = tpu.vector_load %arg7[%parallel_loop3A_288] {strides = array<i32>} : memref<4096xf32, #tpu.memory_space<vmem>>, vector<16xf32>,
        %parallel_loop3A_290 = arith.subf %parallel_loop3A_289, %gather3A_49 : vector<16xf32>
        %parallel_loop3A_291 = arith.index_cast %parallel_loop3A_284 : i32 to index
        %parallel_loop3A_292 = tpu.vector_load %arg8[%parallel_loop3A_291] {strides = array<i32>} : memref<4096xf32, #tpu.memory_space<vmem>>, vector<16xf32>,
        %parallel_loop3A_293 = arith.subf %parallel_loop3A_292, %gather3A_50 : vector<16xf32>
        %parallel_loop3A_294 = arith.mulf %parallel_loop3A_287, %parallel_loop3A_287 : vector<16xf32>
        %parallel_loop3A_295 = arith.mulf %parallel_loop3A_290, %parallel_loop3A_290 : vector<16xf32>
        %parallel_loop3A_296 = arith.addf %parallel_loop3A_294, %parallel_loop3A_295 : vector<16xf32>
        %parallel_loop3A_297 = arith.mulf %parallel_loop3A_293, %parallel_loop3A_293 : vector<16xf32>
        %parallel_loop3A_298 = arith.addf %parallel_loop3A_296, %parallel_loop3A_297 : vector<16xf32>
        %parallel_loop3A_299 = arith.index_cast %parallel_loop3A_283 : i32 to index
        %parallel_loop3A_300 = tpu.vector_load %arg9[%parallel_loop3A_299] {strides = array<i32>} : memref<2048xf32, #tpu.memory_space<vmem>>, vector<16xf32>,
        %parallel_loop3A_301 = arith.minimumf %parallel_loop3A_300, %parallel_loop3A_298 : vector<16xf32>
        %parallel_loop3A_302 = arith.index_cast %parallel_loop3A_283 : i32 to index
        %parallel_loop3A_303 = tpu.vector_load %arg9[%parallel_loop3A_302] {strides = array<i32>} : memref<2048xf32, #tpu.memory_space<vmem>>, vector<16xf32>,
        tpu.vector_store %arg9[%parallel_loop3A_302], %parallel_loop3A_301 {strides = array<i32>} : memref<2048xf32, #tpu.memory_space<vmem>>, vector<16xf32>,
        %parallel_loop3A_304 = arith.cmpf ogt, %parallel_loop3A_301, %parallel_loop3A_205 : vector<16xf32>
        %parallel_loop3A_305 = arith.select %parallel_loop3A_304, %parallel_loop3A_301, %parallel_loop3A_205 : vector<16xi1>, vector<16xf32>
        %parallel_loop3A_306 = arith.select %parallel_loop3A_304, %parallel_loop3A_219, %parallel_loop3A_213 : vector<16xi1>, vector<16xi32>
        %parallel_loop3A_307 = arith.constant 8 : i32
        %parallel_loop3A_308 = arith.muli %parallel_loop3A_202, %parallel_loop3A_307 : i32
        %parallel_loop3A_309 = arith.constant 3 : i32
        %parallel_loop3A_310 = arith.addi %parallel_loop3A_308, %parallel_loop3A_309 : i32
        %parallel_loop3A_311 = arith.constant 16 : i32
        %parallel_loop3A_312 = arith.muli %parallel_loop3A_310, %parallel_loop3A_311 : i32
        %parallel_loop3A_313 = arith.addi %mul3A_11, %parallel_loop3A_312 : i32
        %parallel_loop3A_314 = arith.index_cast %parallel_loop3A_313 : i32 to index
        %parallel_loop3A_315 = tpu.vector_load %arg6[%parallel_loop3A_314] {strides = array<i32>} : memref<4096xf32, #tpu.memory_space<vmem>>, vector<16xf32>,
        %parallel_loop3A_316 = arith.subf %parallel_loop3A_315, %gather3A : vector<16xf32>
        %parallel_loop3A_317 = arith.index_cast %parallel_loop3A_313 : i32 to index
        %parallel_loop3A_318 = tpu.vector_load %arg7[%parallel_loop3A_317] {strides = array<i32>} : memref<4096xf32, #tpu.memory_space<vmem>>, vector<16xf32>,
        %parallel_loop3A_319 = arith.subf %parallel_loop3A_318, %gather3A_49 : vector<16xf32>
        %parallel_loop3A_320 = arith.index_cast %parallel_loop3A_313 : i32 to index
        %parallel_loop3A_321 = tpu.vector_load %arg8[%parallel_loop3A_320] {strides = array<i32>} : memref<4096xf32, #tpu.memory_space<vmem>>, vector<16xf32>,
        %parallel_loop3A_322 = arith.subf %parallel_loop3A_321, %gather3A_50 : vector<16xf32>
        %parallel_loop3A_323 = arith.mulf %parallel_loop3A_316, %parallel_loop3A_316 : vector<16xf32>
        %parallel_loop3A_324 = arith.mulf %parallel_loop3A_319, %parallel_loop3A_319 : vector<16xf32>
        %parallel_loop3A_325 = arith.addf %parallel_loop3A_323, %parallel_loop3A_324 : vector<16xf32>
        %parallel_loop3A_326 = arith.mulf %parallel_loop3A_322, %parallel_loop3A_322 : vector<16xf32>
        %parallel_loop3A_327 = arith.addf %parallel_loop3A_325, %parallel_loop3A_326 : vector<16xf32>
        %parallel_loop3A_328 = arith.index_cast %parallel_loop3A_312 : i32 to index
        %parallel_loop3A_329 = tpu.vector_load %arg9[%parallel_loop3A_328] {strides = array<i32>} : memref<2048xf32, #tpu.memory_space<vmem>>, vector<16xf32>,
        %parallel_loop3A_330 = arith.minimumf %parallel_loop3A_329, %parallel_loop3A_327 : vector<16xf32>
        %parallel_loop3A_331 = arith.index_cast %parallel_loop3A_312 : i32 to index
        %parallel_loop3A_332 = tpu.vector_load %arg9[%parallel_loop3A_331] {strides = array<i32>} : memref<2048xf32, #tpu.memory_space<vmem>>, vector<16xf32>,
        tpu.vector_store %arg9[%parallel_loop3A_331], %parallel_loop3A_330 {strides = array<i32>} : memref<2048xf32, #tpu.memory_space<vmem>>, vector<16xf32>,
        %parallel_loop3A_333 = arith.cmpf ogt, %parallel_loop3A_330, %parallel_loop3A_206 : vector<16xf32>
        %parallel_loop3A_334 = arith.select %parallel_loop3A_333, %parallel_loop3A_330, %parallel_loop3A_206 : vector<16xi1>, vector<16xf32>
        %parallel_loop3A_335 = arith.select %parallel_loop3A_333, %parallel_loop3A_219, %parallel_loop3A_214 : vector<16xi1>, vector<16xi32>
        %parallel_loop3A_336 = arith.constant 8 : i32
        %parallel_loop3A_337 = arith.muli %parallel_loop3A_202, %parallel_loop3A_336 : i32
        %parallel_loop3A_338 = arith.constant 4 : i32
        %parallel_loop3A_339 = arith.addi %parallel_loop3A_337, %parallel_loop3A_338 : i32
        %parallel_loop3A_340 = arith.constant 16 : i32
        %parallel_loop3A_341 = arith.muli %parallel_loop3A_339, %parallel_loop3A_340 : i32
        %parallel_loop3A_342 = arith.addi %mul3A_11, %parallel_loop3A_341 : i32
        %parallel_loop3A_343 = arith.index_cast %parallel_loop3A_342 : i32 to index
        %parallel_loop3A_344 = tpu.vector_load %arg6[%parallel_loop3A_343] {strides = array<i32>} : memref<4096xf32, #tpu.memory_space<vmem>>, vector<16xf32>,
        %parallel_loop3A_345 = arith.subf %parallel_loop3A_344, %gather3A : vector<16xf32>
        %parallel_loop3A_346 = arith.index_cast %parallel_loop3A_342 : i32 to index
        %parallel_loop3A_347 = tpu.vector_load %arg7[%parallel_loop3A_346] {strides = array<i32>} : memref<4096xf32, #tpu.memory_space<vmem>>, vector<16xf32>,
        %parallel_loop3A_348 = arith.subf %parallel_loop3A_347, %gather3A_49 : vector<16xf32>
        %parallel_loop3A_349 = arith.index_cast %parallel_loop3A_342 : i32 to index
        %parallel_loop3A_350 = tpu.vector_load %arg8[%parallel_loop3A_349] {strides = array<i32>} : memref<4096xf32, #tpu.memory_space<vmem>>, vector<16xf32>,
        %parallel_loop3A_351 = arith.subf %parallel_loop3A_350, %gather3A_50 : vector<16xf32>
        %parallel_loop3A_352 = arith.mulf %parallel_loop3A_345, %parallel_loop3A_345 : vector<16xf32>
        %parallel_loop3A_353 = arith.mulf %parallel_loop3A_348, %parallel_loop3A_348 : vector<16xf32>
        %parallel_loop3A_354 = arith.addf %parallel_loop3A_352, %parallel_loop3A_353 : vector<16xf32>
        %parallel_loop3A_355 = arith.mulf %parallel_loop3A_351, %parallel_loop3A_351 : vector<16xf32>
        %parallel_loop3A_356 = arith.addf %parallel_loop3A_354, %parallel_loop3A_355 : vector<16xf32>
        %parallel_loop3A_357 = arith.index_cast %parallel_loop3A_341 : i32 to index
        %parallel_loop3A_358 = tpu.vector_load %arg9[%parallel_loop3A_357] {strides = array<i32>} : memref<2048xf32, #tpu.memory_space<vmem>>, vector<16xf32>,
        %parallel_loop3A_359 = arith.minimumf %parallel_loop3A_358, %parallel_loop3A_356 : vector<16xf32>
        %parallel_loop3A_360 = arith.index_cast %parallel_loop3A_341 : i32 to index
        %parallel_loop3A_361 = tpu.vector_load %arg9[%parallel_loop3A_360] {strides = array<i32>} : memref<2048xf32, #tpu.memory_space<vmem>>, vector<16xf32>,
        tpu.vector_store %arg9[%parallel_loop3A_360], %parallel_loop3A_359 {strides = array<i32>} : memref<2048xf32, #tpu.memory_space<vmem>>, vector<16xf32>,
        %parallel_loop3A_362 = arith.cmpf ogt, %parallel_loop3A_359, %parallel_loop3A_207 : vector<16xf32>
        %parallel_loop3A_363 = arith.select %parallel_loop3A_362, %parallel_loop3A_359, %parallel_loop3A_207 : vector<16xi1>, vector<16xf32>
        %parallel_loop3A_364 = arith.select %parallel_loop3A_362, %parallel_loop3A_219, %parallel_loop3A_215 : vector<16xi1>, vector<16xi32>
        %parallel_loop3A_365 = arith.constant 8 : i32
        %parallel_loop3A_366 = arith.muli %parallel_loop3A_202, %parallel_loop3A_365 : i32
        %parallel_loop3A_367 = arith.constant 5 : i32
        %parallel_loop3A_368 = arith.addi %parallel_loop3A_366, %parallel_loop3A_367 : i32
        %parallel_loop3A_369 = arith.constant 16 : i32
        %parallel_loop3A_370 = arith.muli %parallel_loop3A_368, %parallel_loop3A_369 : i32
        %parallel_loop3A_371 = arith.addi %mul3A_11, %parallel_loop3A_370 : i32
        %parallel_loop3A_372 = arith.index_cast %parallel_loop3A_371 : i32 to index
        %parallel_loop3A_373 = tpu.vector_load %arg6[%parallel_loop3A_372] {strides = array<i32>} : memref<4096xf32, #tpu.memory_space<vmem>>, vector<16xf32>,
        %parallel_loop3A_374 = arith.subf %parallel_loop3A_373, %gather3A : vector<16xf32>
        %parallel_loop3A_375 = arith.index_cast %parallel_loop3A_371 : i32 to index
        %parallel_loop3A_376 = tpu.vector_load %arg7[%parallel_loop3A_375] {strides = array<i32>} : memref<4096xf32, #tpu.memory_space<vmem>>, vector<16xf32>,
        %parallel_loop3A_377 = arith.subf %parallel_loop3A_376, %gather3A_49 : vector<16xf32>
        %parallel_loop3A_378 = arith.index_cast %parallel_loop3A_371 : i32 to index
        %parallel_loop3A_379 = tpu.vector_load %arg8[%parallel_loop3A_378] {strides = array<i32>} : memref<4096xf32, #tpu.memory_space<vmem>>, vector<16xf32>,
        %parallel_loop3A_380 = arith.subf %parallel_loop3A_379, %gather3A_50 : vector<16xf32>
        %parallel_loop3A_381 = arith.mulf %parallel_loop3A_374, %parallel_loop3A_374 : vector<16xf32>
        %parallel_loop3A_382 = arith.mulf %parallel_loop3A_377, %parallel_loop3A_377 : vector<16xf32>
        %parallel_loop3A_383 = arith.addf %parallel_loop3A_381, %parallel_loop3A_382 : vector<16xf32>
        %parallel_loop3A_384 = arith.mulf %parallel_loop3A_380, %parallel_loop3A_380 : vector<16xf32>
        %parallel_loop3A_385 = arith.addf %parallel_loop3A_383, %parallel_loop3A_384 : vector<16xf32>
        %parallel_loop3A_386 = arith.index_cast %parallel_loop3A_370 : i32 to index
        %parallel_loop3A_387 = tpu.vector_load %arg9[%parallel_loop3A_386] {strides = array<i32>} : memref<2048xf32, #tpu.memory_space<vmem>>, vector<16xf32>,
        %parallel_loop3A_388 = arith.minimumf %parallel_loop3A_387, %parallel_loop3A_385 : vector<16xf32>
        %parallel_loop3A_389 = arith.index_cast %parallel_loop3A_370 : i32 to index
        %parallel_loop3A_390 = tpu.vector_load %arg9[%parallel_loop3A_389] {strides = array<i32>} : memref<2048xf32, #tpu.memory_space<vmem>>, vector<16xf32>,
        tpu.vector_store %arg9[%parallel_loop3A_389], %parallel_loop3A_388 {strides = array<i32>} : memref<2048xf32, #tpu.memory_space<vmem>>, vector<16xf32>,
        %parallel_loop3A_391 = arith.cmpf ogt, %parallel_loop3A_388, %parallel_loop3A_208 : vector<16xf32>
        %parallel_loop3A_392 = arith.select %parallel_loop3A_391, %parallel_loop3A_388, %parallel_loop3A_208 : vector<16xi1>, vector<16xf32>
        %parallel_loop3A_393 = arith.select %parallel_loop3A_391, %parallel_loop3A_219, %parallel_loop3A_216 : vector<16xi1>, vector<16xi32>
        %parallel_loop3A_394 = arith.constant 8 : i32
        %parallel_loop3A_395 = arith.muli %parallel_loop3A_202, %parallel_loop3A_394 : i32
        %parallel_loop3A_396 = arith.constant 6 : i32
        %parallel_loop3A_397 = arith.addi %parallel_loop3A_395, %parallel_loop3A_396 : i32
        %parallel_loop3A_398 = arith.constant 16 : i32
        %parallel_loop3A_399 = arith.muli %parallel_loop3A_397, %parallel_loop3A_398 : i32
        %parallel_loop3A_400 = arith.addi %mul3A_11, %parallel_loop3A_399 : i32
        %parallel_loop3A_401 = arith.index_cast %parallel_loop3A_400 : i32 to index
        %parallel_loop3A_402 = tpu.vector_load %arg6[%parallel_loop3A_401] {strides = array<i32>} : memref<4096xf32, #tpu.memory_space<vmem>>, vector<16xf32>,
        %parallel_loop3A_403 = arith.subf %parallel_loop3A_402, %gather3A : vector<16xf32>
        %parallel_loop3A_404 = arith.index_cast %parallel_loop3A_400 : i32 to index
        %parallel_loop3A_405 = tpu.vector_load %arg7[%parallel_loop3A_404] {strides = array<i32>} : memref<4096xf32, #tpu.memory_space<vmem>>, vector<16xf32>,
        %parallel_loop3A_406 = arith.subf %parallel_loop3A_405, %gather3A_49 : vector<16xf32>
        %parallel_loop3A_407 = arith.index_cast %parallel_loop3A_400 : i32 to index
        %parallel_loop3A_408 = tpu.vector_load %arg8[%parallel_loop3A_407] {strides = array<i32>} : memref<4096xf32, #tpu.memory_space<vmem>>, vector<16xf32>,
        %parallel_loop3A_409 = arith.subf %parallel_loop3A_408, %gather3A_50 : vector<16xf32>
        %parallel_loop3A_410 = arith.mulf %parallel_loop3A_403, %parallel_loop3A_403 : vector<16xf32>
        %parallel_loop3A_411 = arith.mulf %parallel_loop3A_406, %parallel_loop3A_406 : vector<16xf32>
        %parallel_loop3A_412 = arith.addf %parallel_loop3A_410, %parallel_loop3A_411 : vector<16xf32>
        %parallel_loop3A_413 = arith.mulf %parallel_loop3A_409, %parallel_loop3A_409 : vector<16xf32>
        %parallel_loop3A_414 = arith.addf %parallel_loop3A_412, %parallel_loop3A_413 : vector<16xf32>
        %parallel_loop3A_415 = arith.index_cast %parallel_loop3A_399 : i32 to index
        %parallel_loop3A_416 = tpu.vector_load %arg9[%parallel_loop3A_415] {strides = array<i32>} : memref<2048xf32, #tpu.memory_space<vmem>>, vector<16xf32>,
        %parallel_loop3A_417 = arith.minimumf %parallel_loop3A_416, %parallel_loop3A_414 : vector<16xf32>
        %parallel_loop3A_418 = arith.index_cast %parallel_loop3A_399 : i32 to index
        %parallel_loop3A_419 = tpu.vector_load %arg9[%parallel_loop3A_418] {strides = array<i32>} : memref<2048xf32, #tpu.memory_space<vmem>>, vector<16xf32>,
        tpu.vector_store %arg9[%parallel_loop3A_418], %parallel_loop3A_417 {strides = array<i32>} : memref<2048xf32, #tpu.memory_space<vmem>>, vector<16xf32>,
        %parallel_loop3A_420 = arith.cmpf ogt, %parallel_loop3A_417, %parallel_loop3A_209 : vector<16xf32>
        %parallel_loop3A_421 = arith.select %parallel_loop3A_420, %parallel_loop3A_417, %parallel_loop3A_209 : vector<16xi1>, vector<16xf32>
        %parallel_loop3A_422 = arith.select %parallel_loop3A_420, %parallel_loop3A_219, %parallel_loop3A_217 : vector<16xi1>, vector<16xi32>
        %parallel_loop3A_423 = arith.constant 8 : i32
        %parallel_loop3A_424 = arith.muli %parallel_loop3A_202, %parallel_loop3A_423 : i32
        %parallel_loop3A_425 = arith.constant 7 : i32
        %parallel_loop3A_426 = arith.addi %parallel_loop3A_424, %parallel_loop3A_425 : i32
        %parallel_loop3A_427 = arith.constant 16 : i32
        %parallel_loop3A_428 = arith.muli %parallel_loop3A_426, %parallel_loop3A_427 : i32
        %parallel_loop3A_429 = arith.addi %mul3A_11, %parallel_loop3A_428 : i32
        %parallel_loop3A_430 = arith.index_cast %parallel_loop3A_429 : i32 to index
        %parallel_loop3A_431 = tpu.vector_load %arg6[%parallel_loop3A_430] {strides = array<i32>} : memref<4096xf32, #tpu.memory_space<vmem>>, vector<16xf32>,
        %parallel_loop3A_432 = arith.subf %parallel_loop3A_431, %gather3A : vector<16xf32>
        %parallel_loop3A_433 = arith.index_cast %parallel_loop3A_429 : i32 to index
        %parallel_loop3A_434 = tpu.vector_load %arg7[%parallel_loop3A_433] {strides = array<i32>} : memref<4096xf32, #tpu.memory_space<vmem>>, vector<16xf32>,
        %parallel_loop3A_435 = arith.subf %parallel_loop3A_434, %gather3A_49 : vector<16xf32>
        %parallel_loop3A_436 = arith.index_cast %parallel_loop3A_429 : i32 to index
        %parallel_loop3A_437 = tpu.vector_load %arg8[%parallel_loop3A_436] {strides = array<i32>} : memref<4096xf32, #tpu.memory_space<vmem>>, vector<16xf32>,
        %parallel_loop3A_438 = arith.subf %parallel_loop3A_437, %gather3A_50 : vector<16xf32>
        %parallel_loop3A_439 = arith.mulf %parallel_loop3A_432, %parallel_loop3A_432 : vector<16xf32>
        %parallel_loop3A_440 = arith.mulf %parallel_loop3A_435, %parallel_loop3A_435 : vector<16xf32>
        %parallel_loop3A_441 = arith.addf %parallel_loop3A_439, %parallel_loop3A_440 : vector<16xf32>
        %parallel_loop3A_442 = arith.mulf %parallel_loop3A_438, %parallel_loop3A_438 : vector<16xf32>
        %parallel_loop3A_443 = arith.addf %parallel_loop3A_441, %parallel_loop3A_442 : vector<16xf32>
        %parallel_loop3A_444 = arith.index_cast %parallel_loop3A_428 : i32 to index
        %parallel_loop3A_445 = tpu.vector_load %arg9[%parallel_loop3A_444] {strides = array<i32>} : memref<2048xf32, #tpu.memory_space<vmem>>, vector<16xf32>,
        %parallel_loop3A_446 = arith.minimumf %parallel_loop3A_445, %parallel_loop3A_443 : vector<16xf32>
        %parallel_loop3A_447 = arith.index_cast %parallel_loop3A_428 : i32 to index
        %parallel_loop3A_448 = tpu.vector_load %arg9[%parallel_loop3A_447] {strides = array<i32>} : memref<2048xf32, #tpu.memory_space<vmem>>, vector<16xf32>,
        tpu.vector_store %arg9[%parallel_loop3A_447], %parallel_loop3A_446 {strides = array<i32>} : memref<2048xf32, #tpu.memory_space<vmem>>, vector<16xf32>,
        %parallel_loop3A_449 = arith.cmpf ogt, %parallel_loop3A_446, %parallel_loop3A_210 : vector<16xf32>
        %parallel_loop3A_450 = arith.select %parallel_loop3A_449, %parallel_loop3A_446, %parallel_loop3A_210 : vector<16xi1>, vector<16xf32>
        %parallel_loop3A_451 = arith.select %parallel_loop3A_449, %parallel_loop3A_219, %parallel_loop3A_218 : vector<16xi1>, vector<16xi32>
        scf.yield %parallel_loop3A_247, %parallel_loop3A_276, %parallel_loop3A_305, %parallel_loop3A_334, %parallel_loop3A_363, %parallel_loop3A_392, %parallel_loop3A_421, %parallel_loop3A_450, %parallel_loop3A_248, %parallel_loop3A_277, %parallel_loop3A_306, %parallel_loop3A_335, %parallel_loop3A_364, %parallel_loop3A_393, %parallel_loop3A_422, %parallel_loop3A_451 : vector<16xf32>, vector<16xf32>, vector<16xf32>, vector<16xf32>, vector<16xf32>, vector<16xf32>, vector<16xf32>, vector<16xf32>, vector<16xi32>, vector<16xi32>, vector<16xi32>, vector<16xi32>, vector<16xi32>, vector<16xi32>, vector<16xi32>, vector<16xi32>
      } {sc.loop_unroll_factor = 2 : i64, sc.parallel_access}
      %mul3A_55 = arith.constant 128 : i32
      %mul3A_56 = vector.broadcast %mul3A_55 : i32 to vector<16xi32>
      %mul3A_57 = arith.muli %parallel_loop3A_54#8, %mul3A_56 : vector<16xi32>
      %add3A_58 = arith.constant 0 : i32
      %add3A_59 = vector.broadcast %add3A_58 : i32 to vector<16xi32>
      %add3A_60 = arith.addi %mul3A_57, %add3A_59 : vector<16xi32>
      %add3A_61 = arith.addi %add3A_60, %add3A_13 : vector<16xi32>
      %mul3A_62 = arith.constant 128 : i32
      %mul3A_63 = vector.broadcast %mul3A_62 : i32 to vector<16xi32>
      %mul3A_64 = arith.muli %parallel_loop3A_54#9, %mul3A_63 : vector<16xi32>
      %add3A_65 = arith.constant 16 : i32
      %add3A_66 = vector.broadcast %add3A_65 : i32 to vector<16xi32>
      %add3A_67 = arith.addi %mul3A_64, %add3A_66 : vector<16xi32>
      %add3A_68 = arith.addi %add3A_67, %add3A_13 : vector<16xi32>
      %mul3A_69 = arith.constant 128 : i32
      %mul3A_70 = vector.broadcast %mul3A_69 : i32 to vector<16xi32>
      %mul3A_71 = arith.muli %parallel_loop3A_54#10, %mul3A_70 : vector<16xi32>
      %add3A_72 = arith.constant 32 : i32
      %add3A_73 = vector.broadcast %add3A_72 : i32 to vector<16xi32>
      %add3A_74 = arith.addi %mul3A_71, %add3A_73 : vector<16xi32>
      %add3A_75 = arith.addi %add3A_74, %add3A_13 : vector<16xi32>
      %mul3A_76 = arith.constant 128 : i32
      %mul3A_77 = vector.broadcast %mul3A_76 : i32 to vector<16xi32>
      %mul3A_78 = arith.muli %parallel_loop3A_54#11, %mul3A_77 : vector<16xi32>
      %add3A_79 = arith.constant 48 : i32
      %add3A_80 = vector.broadcast %add3A_79 : i32 to vector<16xi32>
      %add3A_81 = arith.addi %mul3A_78, %add3A_80 : vector<16xi32>
      %add3A_82 = arith.addi %add3A_81, %add3A_13 : vector<16xi32>
      %mul3A_83 = arith.constant 128 : i32
      %mul3A_84 = vector.broadcast %mul3A_83 : i32 to vector<16xi32>
      %mul3A_85 = arith.muli %parallel_loop3A_54#12, %mul3A_84 : vector<16xi32>
      %add3A_86 = arith.constant 64 : i32
      %add3A_87 = vector.broadcast %add3A_86 : i32 to vector<16xi32>
      %add3A_88 = arith.addi %mul3A_85, %add3A_87 : vector<16xi32>
      %add3A_89 = arith.addi %add3A_88, %add3A_13 : vector<16xi32>
      %mul3A_90 = arith.constant 128 : i32
      %mul3A_91 = vector.broadcast %mul3A_90 : i32 to vector<16xi32>
      %mul3A_92 = arith.muli %parallel_loop3A_54#13, %mul3A_91 : vector<16xi32>
      %add3A_93 = arith.constant 80 : i32
      %add3A_94 = vector.broadcast %add3A_93 : i32 to vector<16xi32>
      %add3A_95 = arith.addi %mul3A_92, %add3A_94 : vector<16xi32>
      %add3A_96 = arith.addi %add3A_95, %add3A_13 : vector<16xi32>
      %mul3A_97 = arith.constant 128 : i32
      %mul3A_98 = vector.broadcast %mul3A_97 : i32 to vector<16xi32>
      %mul3A_99 = arith.muli %parallel_loop3A_54#14, %mul3A_98 : vector<16xi32>
      %add3A_100 = arith.constant 96 : i32
      %add3A_101 = vector.broadcast %add3A_100 : i32 to vector<16xi32>
      %add3A_102 = arith.addi %mul3A_99, %add3A_101 : vector<16xi32>
      %add3A_103 = arith.addi %add3A_102, %add3A_13 : vector<16xi32>
      %mul3A_104 = arith.constant 128 : i32
      %mul3A_105 = vector.broadcast %mul3A_104 : i32 to vector<16xi32>
      %mul3A_106 = arith.muli %parallel_loop3A_54#15, %mul3A_105 : vector<16xi32>
      %add3A_107 = arith.constant 112 : i32
      %add3A_108 = vector.broadcast %add3A_107 : i32 to vector<16xi32>
      %add3A_109 = arith.addi %mul3A_106, %add3A_108 : vector<16xi32>
      %add3A_110 = arith.addi %add3A_109, %add3A_13 : vector<16xi32>
      %gt3A = arith.cmpf ogt, %parallel_loop3A_54#0, %parallel_loop3A_54#1 : vector<16xf32>
      %eq3A_111 = arith.cmpf oeq, %parallel_loop3A_54#0, %parallel_loop3A_54#1 : vector<16xf32>
      %lt3A = arith.cmpi slt, %add3A_61, %add3A_68 : vector<16xi32>
      %and3A_112 = arith.andi %eq3A_111, %lt3A : vector<16xi1>
      %or3A = arith.ori %gt3A, %and3A_112 : vector<16xi1>
      %select_n3A = arith.select %or3A, %parallel_loop3A_54#0, %parallel_loop3A_54#1 : vector<16xi1>, vector<16xf32>
      %select_n3A_113 = arith.select %or3A, %add3A_61, %add3A_68 : vector<16xi1>, vector<16xi32>
      %gt3A_114 = arith.cmpf ogt, %parallel_loop3A_54#2, %parallel_loop3A_54#3 : vector<16xf32>
      %eq3A_115 = arith.cmpf oeq, %parallel_loop3A_54#2, %parallel_loop3A_54#3 : vector<16xf32>
      %lt3A_116 = arith.cmpi slt, %add3A_75, %add3A_82 : vector<16xi32>
      %and3A_117 = arith.andi %eq3A_115, %lt3A_116 : vector<16xi1>
      %or3A_118 = arith.ori %gt3A_114, %and3A_117 : vector<16xi1>
      %select_n3A_119 = arith.select %or3A_118, %parallel_loop3A_54#2, %parallel_loop3A_54#3 : vector<16xi1>, vector<16xf32>
      %select_n3A_120 = arith.select %or3A_118, %add3A_75, %add3A_82 : vector<16xi1>, vector<16xi32>
      %gt3A_121 = arith.cmpf ogt, %parallel_loop3A_54#4, %parallel_loop3A_54#5 : vector<16xf32>
      %eq3A_122 = arith.cmpf oeq, %parallel_loop3A_54#4, %parallel_loop3A_54#5 : vector<16xf32>
      %lt3A_123 = arith.cmpi slt, %add3A_89, %add3A_96 : vector<16xi32>
      %and3A_124 = arith.andi %eq3A_122, %lt3A_123 : vector<16xi1>
      %or3A_125 = arith.ori %gt3A_121, %and3A_124 : vector<16xi1>
      %select_n3A_126 = arith.select %or3A_125, %parallel_loop3A_54#4, %parallel_loop3A_54#5 : vector<16xi1>, vector<16xf32>
      %select_n3A_127 = arith.select %or3A_125, %add3A_89, %add3A_96 : vector<16xi1>, vector<16xi32>
      %gt3A_128 = arith.cmpf ogt, %parallel_loop3A_54#6, %parallel_loop3A_54#7 : vector<16xf32>
      %eq3A_129 = arith.cmpf oeq, %parallel_loop3A_54#6, %parallel_loop3A_54#7 : vector<16xf32>
      %lt3A_130 = arith.cmpi slt, %add3A_103, %add3A_110 : vector<16xi32>
      %and3A_131 = arith.andi %eq3A_129, %lt3A_130 : vector<16xi1>
      %or3A_132 = arith.ori %gt3A_128, %and3A_131 : vector<16xi1>
      %select_n3A_133 = arith.select %or3A_132, %parallel_loop3A_54#6, %parallel_loop3A_54#7 : vector<16xi1>, vector<16xf32>
      %select_n3A_134 = arith.select %or3A_132, %add3A_103, %add3A_110 : vector<16xi1>, vector<16xi32>
      %gt3A_135 = arith.cmpf ogt, %select_n3A, %select_n3A_119 : vector<16xf32>
      %eq3A_136 = arith.cmpf oeq, %select_n3A, %select_n3A_119 : vector<16xf32>
      %lt3A_137 = arith.cmpi slt, %select_n3A_113, %select_n3A_120 : vector<16xi32>
      %and3A_138 = arith.andi %eq3A_136, %lt3A_137 : vector<16xi1>
      %or3A_139 = arith.ori %gt3A_135, %and3A_138 : vector<16xi1>
      %select_n3A_140 = arith.select %or3A_139, %select_n3A, %select_n3A_119 : vector<16xi1>, vector<16xf32>
      %select_n3A_141 = arith.select %or3A_139, %select_n3A_113, %select_n3A_120 : vector<16xi1>, vector<16xi32>
      %gt3A_142 = arith.cmpf ogt, %select_n3A_126, %select_n3A_133 : vector<16xf32>
      %eq3A_143 = arith.cmpf oeq, %select_n3A_126, %select_n3A_133 : vector<16xf32>
      %lt3A_144 = arith.cmpi slt, %select_n3A_127, %select_n3A_134 : vector<16xi32>
      %and3A_145 = arith.andi %eq3A_143, %lt3A_144 : vector<16xi1>
      %or3A_146 = arith.ori %gt3A_142, %and3A_145 : vector<16xi1>
      %select_n3A_147 = arith.select %or3A_146, %select_n3A_126, %select_n3A_133 : vector<16xi1>, vector<16xf32>
      %select_n3A_148 = arith.select %or3A_146, %select_n3A_127, %select_n3A_134 : vector<16xi1>, vector<16xi32>
      %gt3A_149 = arith.cmpf ogt, %select_n3A_140, %select_n3A_147 : vector<16xf32>
      %eq3A_150 = arith.cmpf oeq, %select_n3A_140, %select_n3A_147 : vector<16xf32>
      %lt3A_151 = arith.cmpi slt, %select_n3A_141, %select_n3A_148 : vector<16xi32>
      %and3A_152 = arith.andi %eq3A_150, %lt3A_151 : vector<16xi1>
      %or3A_153 = arith.ori %gt3A_149, %and3A_152 : vector<16xi1>
      %select_n3A_154 = arith.select %or3A_153, %select_n3A_140, %select_n3A_147 : vector<16xi1>, vector<16xf32>
      %select_n3A_155 = arith.select %or3A_153, %select_n3A_141, %select_n3A_148 : vector<16xi1>, vector<16xi32>
      %reduce_max3A = arith.constant true
      %reduce_max3A_156 = vector.broadcast %reduce_max3A : i1 to vector<16xi1>
      %reduce_max3A_157 = tpu.scan <max>, %select_n3A_154 masked %reduce_max3A_156 : vector<16xf32>, vector<16xi1> -> vector<16xf32>
      %reduce_max3A_158 = vector.extract %reduce_max3A_157[15] : f32 from vector<16xf32>
      %eq3A_159 = vector.broadcast %reduce_max3A_158 : f32 to vector<16xf32>
      %eq3A_160 = arith.cmpf oeq, %select_n3A_154, %eq3A_159 : vector<16xf32>
      %jit3A = arith.constant 1073741824 : i32
      %broadcast_in_dim3A_161 = vector.broadcast %jit3A : i32 to vector<16xi32>
      %select_n3A_162 = arith.select %eq3A_160, %select_n3A_155, %broadcast_in_dim3A_161 : vector<16xi1>, vector<16xi32>
      %reduce_min3A = arith.constant true
      %reduce_min3A_163 = vector.broadcast %reduce_min3A : i1 to vector<16xi1>
      %reduce_min3A_164 = arith.constant -2147483648 : i32
      %reduce_min3A_165 = vector.broadcast %reduce_min3A_164 : i32 to vector<16xi32>
      %reduce_min3A_166 = arith.xori %select_n3A_162, %reduce_min3A_165 : vector<16xi32>
      %reduce_min3A_167 = tpu.scan <min>, %reduce_min3A_166 masked %reduce_min3A_163 : vector<16xi32>, vector<16xi1> -> vector<16xi32>
      %reduce_min3A_168 = arith.xori %reduce_min3A_167, %reduce_min3A_165 : vector<16xi32>
      %reduce_min3A_169 = vector.extract %reduce_min3A_168[15] : i32 from vector<16xi32>
      %bitcast_convert_type3A = arith.bitcast %reduce_max3A_158 : f32 to i32
      %and3A_170 = arith.constant 1 : i32
      %and3A_171 = arith.andi %scan3A_46, %and3A_170 : i32
      %mul3A_172 = arith.constant 2 : i32
      %mul3A_173 = arith.muli %and3A_171, %mul3A_172 : i32
      %sc_fetch_and_add3A = tpu.fetch_and_add_sync %arg11[%mul3A_173], %bitcast_convert_type3A, %xor3A_34 : memref<4xi32, #tpu.memory_space<smem>>, i32 -> i32
      %add3A_174 = arith.constant 1 : i32
      %add3A_175 = arith.addi %mul3A_173, %add3A_174 : i32
      %sc_fetch_and_add3A_176 = tpu.fetch_and_add_sync %arg11[%add3A_175], %reduce_min3A_169, %xor3A_34 : memref<4xi32, #tpu.memory_space<smem>>, i32 -> i32
      %barrier3A_177 = arith.constant 0 : index
      tpu.barrier barrier_id(%barrier3A_177)
      %get3A = arith.index_cast %mul3A_173 : i32 to index
      %get3A_178 = memref.load %arg11[%get3A] : memref<4xi32, #tpu.memory_space<smem>>
      %add3A_179 = arith.constant 1 : i32
      %add3A_180 = arith.addi %mul3A_173, %add3A_179 : i32
      %get3A_181 = arith.index_cast %add3A_180 : i32 to index
      %get3A_182 = memref.load %arg11[%get3A_181] : memref<4xi32, #tpu.memory_space<smem>>
      %swap3A_183 = arith.constant 0 : i32
      %swap3A_184 = arith.index_cast %mul3A_173 : i32 to index
      %swap3A_185 = memref.load %arg11[%swap3A_184] : memref<4xi32, #tpu.memory_space<smem>>
      memref.store %swap3A_183, %arg11[%swap3A_184] : memref<4xi32, #tpu.memory_space<smem>>
      %add3A_186 = arith.constant 1 : i32
      %add3A_187 = arith.addi %mul3A_173, %add3A_186 : i32
      %swap3A_188 = arith.constant 0 : i32
      %swap3A_189 = arith.index_cast %add3A_187 : i32 to index
      %swap3A_190 = memref.load %arg11[%swap3A_189] : memref<4xi32, #tpu.memory_space<smem>>
      memref.store %swap3A_188, %arg11[%swap3A_189] : memref<4xi32, #tpu.memory_space<smem>>
      %gt3A_191 = arith.cmpi sgt, %get3A_178, %bitcast_convert_type3A : i32
      %eq3A_192 = arith.cmpi eq, %get3A_178, %bitcast_convert_type3A : i32
      %lt3A_193 = arith.cmpi slt, %get3A_182, %reduce_min3A_169 : i32
      %and3A_194 = arith.andi %eq3A_192, %lt3A_193 : i1
      %or3A_195 = arith.ori %gt3A_191, %and3A_194 : i1
      %select_n3A_196 = arith.select %or3A_195, %get3A_182, %reduce_min3A_169 : i32
      %eq3A_197 = arith.constant 0 : i32
      %eq3A_198 = arith.cmpi eq, %and3A_2, %eq3A_197 : i32
      %convert_element_type3A_199 = arith.extui %eq3A_198 : i1 to i32
      %cond3A_200 = arith.constant 0 : i32
      %cond3A_201 = arith.cmpi ne, %convert_element_type3A_199, %cond3A_200 : i32
      scf.if %cond3A_201 {
        %broadcast_in_dim3A_202 = vector.broadcast %scan3A_46 : i32 to vector<16xi32>
        %broadcast_in_dim3A_203 = vector.broadcast %select_n3A_196 : i32 to vector<16xi32>
        tpu.vector_store_idx %arg10[%broadcast_in_dim3A_202], %broadcast_in_dim3A_203 masked %eq3A_4 : memref<1024xi32, #tpu.memory_space<vmem>>[vector<16xi32>], vector<16xi32>, vector<16xi1>
      } else {
      }
      scf.yield %select_n3A_196 : i32
    }
    %scan3A_40 = arith.constant 1023 : i32
    %eq3A_41 = arith.constant 0 : i32
    %eq3A_42 = arith.cmpi eq, %and3A_2, %eq3A_41 : i32
    %convert_element_type3A_43 = arith.extui %eq3A_42 : i1 to i32
    %cond3A_44 = arith.constant 0 : i32
    %cond3A_45 = arith.cmpi ne, %convert_element_type3A_43, %cond3A_44 : i32
    scf.if %cond3A_45 {
      "tpu.region"() ({
        %run_scoped3A = tpu.sem_alloc : memref<!tpu.dma_semaphore, #tpu.memory_space<semaphore_mem>>
        %dma_start3A = arith.constant 0 : i32
        %dma_start3A_46 = tpu.memref_slice %arg5[%add3A, %dma_start3A] : memref<16x1024xi32, #tpu.memory_space<hbm>> -> memref<1x1024xi32, #tpu.memory_space<hbm>>
        %dma_start3A_47 = tpu.memref_squeeze %dma_start3A_46 : memref<1x1024xi32, #tpu.memory_space<hbm>> -> memref<1024xi32, #tpu.memory_space<hbm>>
        %dma_start3A_48 = arith.constant 0 : i32
        %dma_start3A_49 = tpu.memref_slice %arg5[%add3A, %dma_start3A_48] : memref<16x1024xi32, #tpu.memory_space<hbm>> -> memref<1x1024xi32, #tpu.memory_space<hbm>>
        %dma_start3A_50 = tpu.memref_squeeze %dma_start3A_49 : memref<1x1024xi32, #tpu.memory_space<hbm>> -> memref<1024xi32, #tpu.memory_space<hbm>>
        tpu.enqueue_dma source(%arg10 : memref<1024xi32, #tpu.memory_space<vmem>>) target(%dma_start3A_50 : memref<1024xi32, #tpu.memory_space<hbm>>) target_semaphore(%run_scoped3A : memref<!tpu.dma_semaphore, #tpu.memory_space<semaphore_mem>>)
        %dma_wait3A = arith.constant 0 : i32
        %dma_wait3A_51 = tpu.memref_slice %arg5[%add3A, %dma_wait3A] : memref<16x1024xi32, #tpu.memory_space<hbm>> -> memref<1x1024xi32, #tpu.memory_space<hbm>>
        %dma_wait3A_52 = tpu.memref_squeeze %dma_wait3A_51 : memref<1x1024xi32, #tpu.memory_space<hbm>> -> memref<1024xi32, #tpu.memory_space<hbm>>
        %dma_wait3A_53 = arith.constant 0 : i32
        %dma_wait3A_54 = tpu.memref_slice %arg5[%add3A, %dma_wait3A_53] : memref<16x1024xi32, #tpu.memory_space<hbm>> -> memref<1x1024xi32, #tpu.memory_space<hbm>>
        %dma_wait3A_55 = tpu.memref_squeeze %dma_wait3A_54 : memref<1x1024xi32, #tpu.memory_space<hbm>> -> memref<1024xi32, #tpu.memory_space<hbm>>
        tpu.wait_dma2 semaphore(%run_scoped3A : memref<!tpu.dma_semaphore, #tpu.memory_space<semaphore_mem>>) src(%arg10 : memref<1024xi32, #tpu.memory_space<vmem>>) dst(%dma_wait3A_55 : memref<1024xi32, #tpu.memory_space<hbm>>)
        tpu.yield
      }) : () -> ()
    } else {
    }
    return
  }
}

</mosaic_0001>

<sc_bundles>
// kernel: _fps_all.3.cloned.1.call-start
scs
__scs_entry_jumppad:
0x0: {  	(pc) =	sbr.rel $0x88, $3  }
0x1: {  	(tag) =	ssettag $0x0;
	lr =	simm.s32 $0x1  }
0x2: {  	[smem:$0x3F9E] =	sst lr;
	_ =	strace $0xD0000000  }
0x3: {  	_ = 	snop  }
0x4: {  	_ = 	snop  }
0x5: {  	_ = 	snop  }
0x6: {  	_ = 	snop  }
0x7: {  	_ = 	snop  }
__scs_overlays_trampoline_lowered:
0x8: {  	[smem:$0x3FAD] =	sst s0  }
0x9: {  	[smem:$0x3FAE] =	sst s1  }
0xa: {  	[smem:$0x3FAF] =	sst s2  }
0xb: {  	[smem:$0x3FB0] =	sst s3  }
0xc: {  	[smem:$0x3FB1] =	sst s4  }
0xd: {  	[smem:$0x3FB2] =	sst s5  }
0xe: {  	[smem:$0x3FB3] =	sst s6  }
0xf: {  	[smem:$0x3FB4] =	sst s7  }
0x10: {  	[smem:$0x3FB5] =	sst s8  }
0x11: {  	[smem:$0x3FB6] =	sst s9;
	s0 =	simm.s32 @!p0 $0x0  }
0x12: {  	s1 =	sld [smem:$0x3F9C];
	s0 =	simm.s32 @p0 $0x1  }
0x13: {  	[smem:$0x3FB7] =	sst s0;
	s0 =	simm.s32 @!p1 $0x0  }
0x14: {  	s2 =	sld [smem:$0x3F9B];
	s0 =	simm.s32 @p1 $0x1  }
0x15: {  	[smem:$0x3FB8] =	sst s0;
	s0 =	simm.s32 @!p2 $0x0  }
0x16: {  	s3 =	sld [smem:$0x3FDB];
	s0 =	simm.s32 @p2 $0x1  }
0x17: {  	s4 =	simm.s32 $0x1BF5;
	[smem:$0x3FBA] =	sst s0  }
0x18: {  	s0 =	sld [smem:$0x3F9D];
	_ =	swait.ge [sflag:s4], $0x0  }
0x19: {  	s7 =	sld [smem:$0x3F9E]  }
0x1a: {  	s8 =	sadd.s32 $0xFFFFE003, lr  }
0x1b: {  	s9 =	sadd.s32 $0xFFFFFEF7, lr;
	s5 =	simm.s32 $0xFFFFFFFF;
	p2 =	slt.u32 s8, $0xFFFFF086  }
0x1c: {  	p1 =	slt.u32 s9, $0xF7A;
	s5 =	simm.s32 @!p2 $0x0  }
0x1d: {  	s5 =	simm.s32 @p1 $0x1;
	p0 =	seq.s32 s7, s2  }
0x1e: {  	s7 =	smul.u32 @!p0 $0xF7A, s2;
	p2 =	seq.s32 @!p0 s5, $0x0  }
0x1f: {  	s9 =	smul.u32 $0xF7A, s1;
	s8 =	simm.s32 @!p0 $0x1BF5;
	p2 =	por !p2, p0  }
0x20: {  	[sflag:s8] =	ssyncset.s32 @!p0 $0xFFFFF086;
	s6 =	sadd.s32 @!p0 s3, s7;
	s7 =	simm.s32 @!p0 $0x108  }
0x21: {  	s3 =	sadd.s32 s3, s9;
	s6 =	sadd.s32 @!p0 $0x88, s6;
	s7 =	simm.s32 @p2 $0x1082  }
0x22: {  	[simem:s7], [sflag:s8] =	dma.local @!p0 [hbm:s6], $0xF7A  }
0x23: {  	s9 =	sor.u32 $0xD0000000, s2;
	s6 =	simm.s32 $0x108;
	_ =	swait.ge @!p0 [sflag:s8], $0x0  }
0x24: {  	s3 =	sadd.s32 $0x88, s3;
	s6 =	simm.s32 @!p1 $0x1082;
	[sflag:s4] =	ssyncset.s32 $0xFFFFF086  }
0x25: {  	[simem:s6], [sflag:s4] =	dma.local [hbm:s3], $0xF7A  }
0x26: {  	[smem:$0x3F9E] =	sst s1;
	(tag) =	ssettag s2;
	_ =	strace s9  }
0x27: {  	s1 =	sld [smem:$0x3FAE]  }
0x28: {  	s2 =	sld [smem:$0x3FAF]  }
0x29: {  	s4 =	sld [smem:$0x3FB1]  }
0x2a: {  	p0 =	seq.s32 s5, $0x0;
	s5 =	sld [smem:$0x3FB2]  }
0x2b: {  	s6 =	sld [smem:$0x3FB3]  }
0x2c: {  	s7 =	sld [smem:$0x3FB4]  }
0x2d: {  	s3 =	simm.s32 $0x108;
	s8 =	sld [smem:$0x3FB5]  }
0x2e: {  	s3 =	simm.s32 @!p0 $0x1082;
	s9 =	sld [smem:$0x3FB6]  }
0x2f: {  	lr =	sadd.s32 s0, s3;
	s0 =	sld [smem:$0x3FAD]  }
0x30: {  	s3 =	sld [smem:$0x3FB0]  }
0x31: {  	[smem:$0x3FB9] =	sst s10  }
0x32: {  	s10 =	sld [smem:$0x3FB7];
	_ =	sdelay $0x3  }
0x33: {  	p0 =	seq.s32 s10, $0x1;
	s10 =	sld [smem:$0x3FB9];
	_ =	sdelay $0x3  }
0x34: {  	[smem:$0x3FB9] =	sst s10  }
0x35: {  	s10 =	sld [smem:$0x3FB8];
	_ =	sdelay $0x3  }
0x36: {  	p1 =	seq.s32 s10, $0x1;
	s10 =	sld [smem:$0x3FB9];
	_ =	sdelay $0x3  }
0x37: {  	[smem:$0x3FB9] =	sst s10  }
0x38: {  	s10 =	sld [smem:$0x3FBA]  }
0x39: {  	_ = 	snop;
	(pc) =	sbr.ind lr, $3  }
0x3a: {  	_ = 	snop  }
0x3b: {  	_ = 	snop  }
0x3c: {  	p2 =	seq.s32 s10, $0x1;
	s10 =	sld [smem:$0x3FB9]  }
0x3d: {  	_ =	shalt  }
0x3e: {  	_ =	shalt  }
0x3f: {  	_ =	shalt  }
0x40: {  	_ =	shalt  }
0x41: {  	_ =	shalt  }
0x42: {  	_ =	shalt  }
0x43: {  	_ =	shalt  }
0x44: {  	_ =	shalt  }
0x45: {  	_ =	shalt  }
0x46: {  	_ =	shalt  }
0x47: {  	_ =	shalt  }
0x48: {  	_ =	shalt  }
0x49: {  	_ =	shalt  }
0x4a: {  	_ =	shalt  }
0x4b: {  	_ =	shalt  }
0x4c: {  	_ =	shalt  }
0x4d: {  	_ =	shalt  }
0x4e: {  	_ =	shalt  }
0x4f: {  	_ =	shalt  }
0x50: {  	_ =	shalt  }
0x51: {  	_ =	shalt  }
0x52: {  	_ =	shalt  }
0x53: {  	_ =	shalt  }
0x54: {  	_ =	shalt  }
0x55: {  	_ =	shalt  }
0x56: {  	_ =	shalt  }
0x57: {  	_ =	shalt  }
0x58: {  	_ =	shalt  }
0x59: {  	_ =	shalt  }
0x5a: {  	_ =	shalt  }
0x5b: {  	_ =	shalt  }
0x5c: {  	_ =	shalt  }
0x5d: {  	_ =	shalt  }
0x5e: {  	_ =	shalt  }
0x5f: {  	_ =	shalt  }
0x60: {  	_ =	shalt  }
0x61: {  	_ =	shalt  }
0x62: {  	_ =	shalt  }
0x63: {  	_ =	shalt  }
0x64: {  	_ =	shalt  }
0x65: {  	_ =	shalt  }
0x66: {  	_ =	shalt  }
0x67: {  	_ =	shalt  }
0x68: {  	_ =	shalt  }
0x69: {  	_ =	shalt  }
0x6a: {  	_ =	shalt  }
0x6b: {  	_ =	shalt  }
0x6c: {  	_ =	shalt  }
0x6d: {  	_ =	shalt  }
0x6e: {  	_ =	shalt  }
0x6f: {  	_ =	shalt  }
0x70: {  	_ =	shalt  }
0x71: {  	_ =	shalt  }
0x72: {  	_ =	shalt  }
0x73: {  	_ =	shalt  }
0x74: {  	_ =	shalt  }
0x75: {  	_ =	shalt  }
0x76: {  	_ =	shalt  }
0x77: {  	_ =	shalt  }
0x78: {  	_ =	shalt  }
0x79: {  	_ =	shalt  }
0x7a: {  	_ =	shalt  }
0x7b: {  	_ =	shalt  }
0x7c: {  	_ =	shalt  }
0x7d: {  	_ =	shalt  }
0x7e: {  	_ =	shalt  }
0x7f: {  	_ =	shalt  }
0x80: {  	_ =	shalt  }
0x81: {  	_ =	shalt  }
0x82: {  	_ =	shalt  }
0x83: {  	_ =	shalt  }
0x84: {  	_ =	shalt  }
0x85: {  	_ =	shalt  }
0x86: {  	_ =	shalt  }
0x87: {  	_ =	shalt  }
.Lfunc_end0:
.L_simem_size_0:
called_computation_lowered:
.L_overlay_start_0:
0x88: {  	s2 =	sld [smem:$0x3FD9]  }
0x89: {  	s3 =	sld [smem:$0x3FFE];
	_ =	sdelay $0x1  }
0x8a: {  	s1 =	srdreg.scid  }
0x8b: {  	s0 =	sand.u32 $0x1, s1  }
0x8c: {  	s18 =	sshll.u32 s0, $0xA;
	s2 =	sadd.s32 s3, s2  }
0x8d: {  	s2 =	sadd.s32 s2, s18  }
0x8e: {  	[smem:$0x3FC5] =	sst s2  }
0x8f: {  	_ = 	snop  }
0x90: {  	s2 =	sld [smem:$0x3FC9]  }
0x91: {  	s19 =	sld [smem:$0x3FC8]  }
0x92: {  	s4 =	sld [smem:$0x3FC7]  }
0x93: {  	s5 =	sld [smem:$0x3FD0];
	(tm) =	ssettm $0x1  }
0x94: {  	s6 =	sld [smem:$0x3FFB];
	_ =	sdelay $0x3  }
0x95: {  	_ =	strace s6  }
0x96: {  	s6 =	sld [smem:$0x3FFC];
	_ =	sdelay $0x3  }
0x97: {  	_ =	strace s6  }
0x98: {  	s6 =	sld [smem:$0x3FFD];
	_ =	sdelay $0x3  }
0x99: {  	_ =	strace s6  }
0x9a: {  	_ =	strace $0x8FFFFFFF  }
0x9b: {  	s20 =	sld [smem:$0x3FDB];
	_ =	sdelay $0x1  }
0x9c: {  	s7 =	simm.s32 $_scs_section_size  }
0x9d: {  	s8 =	simm.s32 $_size__tile_overlayer_lowered;
	s9 =	simm.s32 $_tile_overlayer_lowered  }
0x9e: {  	s23 =	simm.s32 $0x1BFF;
	s22 =	sshll.u32 s9, $0x1;
	s6 =	sadd.s32 s7, s20  }
0x9f: {  	s10 =	simm.s32 $0x0;
	s21 =	sshll.u32 s8, $0x1;
	s8 =	sadd.s32 s22, s6  }
0xa0: {  	[timem:s10], [sflag:s23] =	dma.local [hbm:s8], s21  }
0xa1: {  	_ =	swait.ge [sflag:s23], s21  }
0xa2: {  	s7 =	ssub.s32 $0x0, s21;
	[sflag:s23] =	ssyncset.done $0x0  }
0xa3: {  	[sflag:s23] =	ssyncadd.s32 s7;
	_ =	sdelay $0x1  }
0xa4: {  	s24 =	simm.s32 $0x1B8B  }
0xa5: {  	_ =	swait.ge [sflag:s24], $0x1  }
0xa6: {  	[sflag:s24] =	ssyncset.done $0x0  }
0xa7: {  	s25 =	simm.s32 $0x1B8E;
	[sflag:s24] =	ssyncadd.s32 $0xFFFFFFFF  }
0xa8: {  	s26 =	simm.s32 $execute0_lowered;
	[smem:$0x3FD2] =	sst s25  }
0xa9: {  	s7 =	sshll.u32 s26, $0x1;
	_ =	strace $0x80000046;
	[dreg:$0x1] =	wrdreg $0xFFFFFFFF  }
0xaa: {  	s28 =	simm.s32 $_size_execute0_lowered;
	s6 =	sadd.s32 s6, s7;
	[dreg:$0x0] =	wrdreg $0x0  }
0xab: {  	s7 =	sshll.u32 s28, $0x1;
	[dreg:$0x2] =	wrdreg s6  }
0xac: {  	[dreg:$0x3] =	wrdreg s7  }
0xad: {  	[dreg:$0x4] =	wrdreg $0xC0  }
0xae: {  	_ =	task [dreg:s10], $0x5FFFF  }
0xaf: {  	[dreg:$0x1] =	wrdreg $0xFFFFFFFF  }
0xb0: {  	[dreg:$0x0] =	wrdreg $0x60  }
0xb1: {  	[dreg:$0x2] =	wrdreg s2  }
0xb2: {  	[dreg:$0x3] =	wrdreg s19  }
0xb3: {  	[dreg:$0x4] =	wrdreg s4  }
0xb4: {  	[dreg:$0x5] =	wrdreg s5  }
0xb5: {  	[dreg:$0x6] =	wrdreg $0x9  }
0xb6: {  	_ =	task.clear_ibuf [dreg:s10], $0x7FFFF;
	_ =	strace $0x90000046  }
0xb7: {  	s29 =	simm.s32 $0x9;
	_ =	strace $0x80000048  }
0xb8: {  	_ =	swait.ge [sflag:s29], $0x1  }
0xb9: {  	[sflag:s29] =	ssyncadd.s32 $0xFFFFFFFF  }
0xba: {  	_ =	strace $0x90000048  }
0xbb: {  	_ =	sfence  }
0xbc: {  	s30 =	sld [smem:$0x0];
	_ =	sdelay $0x2  }
0xbd: {  	s31 =	sshll.u32 s1, $0xD;
	s1 =	sshrl.u32 s1, $0x2  }
0xbe: {  	s3 =	sand.u32 $0x4000, s31;
	s1 =	sadd.s32 s1, s30  }
0xbf: {  	s0 =	sor.u32 s3, s0;
	s1 =	sshll.u32 s1, $0x11  }
0xc0: {  	s0 =	sor.u32 s1, s0  }
0xc1: {  	s0 =	sadd.s32 $0x8F2B, s0  }
0xc2: {  	[sflag:s0] =	ssyncadd.remote.s32 $0x1  }
0xc3: {  	_ =	sfence.sel $0xFFFF  }
0xc4: {  	[dreg:$0x0] =	wrdreg $0xFFFFFFFF;
	(pc) =	sbr.abs _section_cstart, $3  }
0xc5: {  	[dreg:$0x1] =	wrdreg $0xFFFFFFFF  }
0xc6: {  	_ =	task.clear_ibuf [dreg:s10], $0x2FFFF;
	_ =	strace $0x9FFFFFFF  }
0xc7: {  	(tm) =	ssettm $0x7FFFFFFF  }
tec
execute0_lowered:
.L_overlay_start_1:
0x0: {  	(tag) =	ssettag $0x1  }
0x1: {  	s0 =	rddreg [dreg:$0x0]  }
0x2: {  	s1 =	rddreg [dreg:$0x1]  }
0x3: {  	s3 =	rddreg [dreg:$0x2]  }
0x4: {  	s4 =	rddreg [dreg:$0x3];
	s5 =	srdreg.scid  }
0x5: {  	s12 =	stileid.u32;
	s2 =	simm.s32 $0x0;
	s13 =	simm.s32 $0x1  }
0x6: {  	s14 =	simm.s32 $0x1000;
	s15 =	simm.s32 $0x2000;
	s17 =	simm.s32 $0x2  }
0x7: {  	s18 =	simm.s32 $0x3800;
	s20 =	simm.s32 $0x0;
	s5 =	sand.u32 $0x1, s5  }
0x8: {  	s6 =	sshll.u32 s12, $0x6;
	[smem:$0x7FF] =	sst s2;
	s11 =	sand.u32 $0x1, s12  }
0x9: {  	s30 =	sxor.u32 $0x1, s12;
	s7 =	ssub.s32 $0x2, s5;
	s8 =	sand.u32 $0x380, s6  }
0xa: {  	s9 =	sshll.u32 s5, $0xF;
	_ =	strace $0x80000047;
	s26 =	sshll.u32 s5, $0xD  }
0xb: {  	s29 =	sshll.u32 s11, $0xB;
	p0 =	sne.s32 s11, $0x0;
	s8 =	sor.u32 s9, s8  }
0xc: {  	v6 =	vlaneseq.u32;
	s16 =	sshll.u32 s30, $0x10;
	s10 =	sshrl.u32 s7, $0x1;
	s8 =	sshrl.u32 s8, $0x3  }
0xd: {  	v1 =	vor.u32 $0x10, v6;
	s9 =	sor.u32 $0x1080, s29;
	s7 =	ssub.s32 s7, s10;
	s0 =	sadd.s32 s0, s8  }
.Ltmp0:
0xe: {  	v2 =	vor.u32 $0x20, v6;
	v3 =	vor.u32 $0x30, v6;
	v4 =	vor.u32 $0x40, v6;
	s1 =	sadd.s32 s1, s8;
	[dreg:$0x5] =	wrdreg s0;
	(pc) =	sbr.rel .LBB2_1-.Ltmp0, $4  }
0xf: {  	v5 =	vor.u32 $0x50, v6;
	v7 =	vor.u32 $0x60, v6;
	v8 =	vor.u32 $0x70, v6;
	s28 =	sadd.s32 s3, s8;
	[dreg:$0x6] =	wrdreg s1;
	s0 =	sor.u32 s6, s26  }
0x10: {  	v0 =	vor.u32 s29, v6;
	v1 =	vor.u32 s29, v1;
	v2 =	vor.u32 s29, v2;
	s31 =	smax.u32 s7, $0x1;
	[dreg:$0x7] =	wrdreg s28;
	s0 =	sshrl.u32 s0, $0x3  }
0x11: {  	v3 =	vor.u32 s29, v3;
	v4 =	vor.u32 s29, v4;
	v5 =	vor.u32 s29, v5;
	s10 =	sor.u32 $0x2080, s29;
	[dreg:$0x9] =	wrdreg s31;
	s0 =	sadd.s32 s4, s0  }
0x12: {  	v6 =	vor.u32 s29, v7;
	v7 =	vor.u32 s29, v8;
	v8 =	vimm.f32 $+Inf;
	s8 =	sor.u32 $0x80, s29;
	s1 =	simm.s32 $0x0;
	[dreg:$0x8] =	wrdreg s0  }
.LBB2_9:
0x13: {  	s1 =	rddreg [dreg:$0xa]  }
0x14: {  	s0 =	rddreg [dreg:$0x9];
	s1 =	sadd.s32 $0x1, s1  }
0x15: {  	p1 =	sne.s32 s1, s0  }
.Ltmp1:
0x16: {  	_ = 	snop;
	(pc) =	sbr.rel @!p1 .LBB2_10-.Ltmp1, $1  }
0x17: {  	_ =	sdelay $0x3  }
.LBB2_1:
0x18: {  	[dreg:$0xa] =	wrdreg s1  }
0x19: {  	s0 =	rddreg [dreg:$0x5];
	s29 =	simm.s32 $0x80;
	s3 =	simm.s32 $0x400  }
0x1a: {  	[tilespmem:s2], [sflag:$0x1] =	stream.strided.gather [hbm4b:s0+s29], $0x1000, s3, s29, $0x38;
	[tilespmem:$0x3C00] =	vst v63  }
0x1b: {  	_ =	swait.ge [sflag:s13], $0x1000  }
0x1c: {  	[sflag:s13] =	ssyncset.done $0x0  }
0x1d: {  	s30 =	rddreg [dreg:$0x6];
	[sflag:s13] =	ssyncadd.s32 $0xFFFFF000  }
0x1e: {  	[tilespmem:s14], [sflag:$0x1] =	stream.strided.gather [hbm4b:s30+s29], $0x1000, s3, s29, $0x38;
	[tilespmem:$0x3C00] =	vst v63  }
0x1f: {  	_ =	swait.ge [sflag:s13], $0x1000  }
0x20: {  	[sflag:s13] =	ssyncset.done $0x0  }
0x21: {  	s31 =	rddreg [dreg:$0x7];
	[sflag:s13] =	ssyncadd.s32 $0xFFFFF000  }
0x22: {  	[tilespmem:s15], [sflag:$0x1] =	stream.strided.gather [hbm4b:s31+s29], $0x1000, s3, s29, $0x38;
	[tilespmem:$0x3C00] =	vst v63  }
0x23: {  	_ =	swait.ge [sflag:s13], $0x1000  }
0x24: {  	[sflag:s13] =	ssyncset.done $0x0  }
0x25: {  	s0 =	simm.s32 $0x3040;
	[sflag:s13] =	ssyncadd.s32 $0xFFFFF000  }
0x26: {  	[tilespmem:s0+$0xFFFFFFC0] =	vst v8  }
0x27: {  	[tilespmem:s0+$0x30] =	vst v8  }
0x28: {  	[tilespmem:s0+$0x20] =	vst v8  }
0x29: {  	[tilespmem:s0+$0x10] =	vst v8  }
0x2a: {  	[tilespmem:s0+$0x0] =	vst v8  }
0x2b: {  	[tilespmem:s0+$0xFFFFFFF0] =	vst v8  }
0x2c: {  	s1 =	simm.s32 $0x0;
	[tilespmem:s0+$0xFFFFFFE0] =	vst v8  }
.LBB2_2:
0x2d: {  	s1 =	sadd.s32 $0x8, s1;
	[tilespmem:s0+$0xFFFFFFD0] =	vst v8;
	s0 =	sadd.s32 $0x80, s0  }
0x2e: {  	[tilespmem:s0+$0xFFFFFFC0] =	vst v8;
	p1 =	slt.u32 s1, $0x78  }
0x2f: {  	[tilespmem:s0+$0x30] =	vst v8  }
.Ltmp2:
0x30: {  	[tilespmem:s0+$0x20] =	vst v8;
	(pc) =	sbr.rel @p1 .LBB2_2-.Ltmp2, $4  }
0x31: {  	[tilespmem:s0+$0x10] =	vst v8  }
0x32: {  	[tilespmem:s0+$0x0] =	vst v8  }
0x33: {  	[tilespmem:s0+$0xFFFFFFF0] =	vst v8  }
0x34: {  	[tilespmem:s0+$0xFFFFFFE0] =	vst v8  }
0x35: {  	v9 =	vimm.s32 @!p0 $0x0;
	_ =	sdelay $0x1  }
0x36: {  	[smem:$0x0] =	sst s20  }
.Ltmp3:
0x37: {  	[smem:$0x1] =	sst s20;
	(pc) =	sbr.rel .LBB2_4-.Ltmp3, $4  }
0x38: {  	[tilespmem:s0+$0xFFFFFFD0] =	vst v8;
	s0 =	simm.s32 @!p0 $0x3800;
	[smem:$0x2] =	sst s20  }
0x39: {  	[smem:$0x3] =	sst s20;
	[tilespmem:v9+s0+$0x0] =	vst.idx.msk @!p0 $0x1, v9  }
0x3a: {  	[bflag:$0x0] =	sbarrier.arrive $0xFFFF  }
0x3b: {  	s21 =	simm.s32 $0x1;
	s0 =	simm.s32 $0x0  }
.LBB2_11:
0x3c: {  	p1 =	seq.s32 s1, $0x400  }
.Ltmp4:
0x3d: {  	_ = 	snop;
	(pc) =	sbr.rel @p1 .LBB2_9-.Ltmp4, $2  }
0x3e: {  	_ =	sdelay $0x2  }
0x3f: {  	s21 =	smov.u32 s1  }
.LBB2_4:
0x40: {  	v10 =	vmov s0;
	_ =	sdelay $0x2  }
0x41: {  	v12 =	vld [tilespmem:s9+$0xFFFFFF80]  }
0x42: {  	v13 =	vld [tilespmem:s8+$0xFFFFFF80]  }
0x43: {  	v11 =	vld.idx.msk [tilespmem:v10+s20+$0x0], $0xffff  }
0x44: {  	v9 =	vld.idx.msk [tilespmem:v10+s14+$0x0], $0xffff  }
0x45: {  	v14 =	vld [tilespmem:s10+$0xFFFFFF80]  }
0x46: {  	v10 =	vld.idx.msk [tilespmem:v10+s15+$0x0], $0xffff;
	_ =	sdelay $0x2  }
0x47: {  	v13 =	vsub.f32 v13, v11;
	v12 =	vsub.f32 v12, v9;
	_ =	sdelay $0x1  }
0x48: {  	s3 =	simm.s32 $0x3080;
	v14 =	vsub.f32 v14, v10;
	v13 =	vmul.f32 v13, v13;
	v12 =	vmul.f32 v12, v12  }
0x49: {  	v15 =	vld [tilespmem:s3+$0xFFFFFF80]  }
0x4a: {  	v12 =	vadd.f32 v12, v13;
	v13 =	vmul.f32 v14, v14;
	_ =	sdelay $0x1  }
0x4b: {  	v12 =	vadd.f32 v13, v12  }
0x4c: {  	v14 =	vld [tilespmem:s8+$0x0]  }
0x4d: {  	v13 =	vld [tilespmem:s9+$0x0];
	v12 =	vmin.f32 v15, v12  }
0x4e: {  	v15 =	vld [tilespmem:s10+$0x0];
	[tilespmem:s3+$0xFFFFFF80] =	vst v12  }
0x4f: {  	v16 =	vld [tilespmem:s9+$0xFFFFFF90]  }
0x50: {  	v17 =	vld [tilespmem:s8+$0xFFFFFF90];
	_ =	sdelay $0x1  }
0x51: {  	v14 =	vsub.f32 v14, v11;
	v18 =	vld [tilespmem:s10+$0xFFFFFF90];
	v13 =	vsub.f32 v13, v9;
	_ =	sdelay $0x1  }
0x52: {  	v14 =	vmul.f32 v14, v14;
	v13 =	vmul.f32 v13, v13;
	v15 =	vsub.f32 v15, v10  }
0x53: {  	v17 =	vsub.f32 v17, v11;
	v16 =	vsub.f32 v16, v9  }
0x54: {  	v19 =	vld [tilespmem:s3+$0x0];
	v13 =	vadd.f32 v13, v14;
	v14 =	vmul.f32 v15, v15  }
0x55: {  	v15 =	vsub.f32 v18, v10;
	v16 =	vmul.f32 v16, v16;
	v17 =	vmul.f32 v17, v17  }
0x56: {  	v18 =	vld [tilespmem:s3+$0xFFFFFF90]  }
0x57: {  	v13 =	vadd.f32 v14, v13;
	v15 =	vmul.f32 v15, v15;
	v16 =	vadd.f32 v16, v17;
	_ =	sdelay $0x1  }
0x58: {  	v14 =	vmin.f32 v19, v13;
	v13 =	vadd.f32 v15, v16  }
0x59: {  	[tilespmem:s3+$0x0] =	vst v14  }
0x5a: {  	v15 =	vld [tilespmem:s9+$0x10];
	v16 =	vmin.f32 v18, v13  }
0x5b: {  	v13 =	vld [tilespmem:s8+$0x10];
	[tilespmem:s3+$0xFFFFFF90] =	vst v16  }
0x5c: {  	v17 =	vld [tilespmem:s9+$0xFFFFFFA0]  }
0x5d: {  	v18 =	vld [tilespmem:s8+$0xFFFFFFA0];
	_ =	sdelay $0x1  }
0x5e: {  	v20 =	vld [tilespmem:s10+$0xFFFFFFA0];
	_ =	sdelay $0x1  }
0x5f: {  	v15 =	vsub.f32 v15, v9;
	v13 =	vsub.f32 v13, v11  }
0x60: {  	v17 =	vsub.f32 v17, v9;
	v18 =	vsub.f32 v18, v11  }
0x61: {  	v15 =	vmul.f32 v15, v15;
	v13 =	vmul.f32 v13, v13  }
0x62: {  	v19 =	vld [tilespmem:s10+$0x10];
	v20 =	vsub.f32 v20, v10;
	v17 =	vmul.f32 v17, v17;
	v18 =	vmul.f32 v18, v18  }
0x63: {  	v13 =	vadd.f32 v15, v13;
	v15 =	vld [tilespmem:s3+$0xFFFFFFA0]  }
0x64: {  	v17 =	vadd.f32 v17, v18;
	v18 =	vmul.f32 v20, v20;
	_ =	sdelay $0x1  }
0x65: {  	v18 =	vadd.f32 v18, v17  }
0x66: {  	s24 =	sadd.s32 $0x100, s9;
	v21 =	vld [tilespmem:s3+$0x10];
	v19 =	vsub.f32 v19, v10  }
0x67: {  	s25 =	sadd.s32 $0x100, s8;
	v23 =	vld [tilespmem:s24+$0xFFFFFF80];
	v15 =	vmin.f32 v15, v18  }
0x68: {  	v24 =	vld [tilespmem:s25+$0xFFFFFF80];
	v19 =	vmul.f32 v19, v19;
	[tilespmem:s3+$0xFFFFFFA0] =	vst v15  }
0x69: {  	v18 =	vld [tilespmem:s8+$0xFFFFFFB0]  }
0x6a: {  	v13 =	vadd.f32 v19, v13;
	v19 =	vld [tilespmem:s9+$0xFFFFFFB0]  }
0x6b: {  	v25 =	vld [tilespmem:s24+$0x0]  }
0x6c: {  	v17 =	vmin.f32 v21, v13;
	v21 =	vld [tilespmem:s10+$0xFFFFFFB0]  }
0x6d: {  	v27 =	vld [tilespmem:s25+$0x0];
	[tilespmem:s3+$0x10] =	vst v17  }
0x6e: {  	v20 =	vld [tilespmem:s8+$0x20]  }
0x6f: {  	s23 =	sadd.s32 $0x100, s10;
	v22 =	vld [tilespmem:s9+$0x20];
	v18 =	vsub.f32 v18, v11;
	v19 =	vsub.f32 v19, v9  }
0x70: {  	v26 =	vld [tilespmem:s23+$0xFFFFFF80];
	v24 =	vsub.f32 v24, v11  }
0x71: {  	v13 =	vld [tilespmem:s10+$0x20];
	v21 =	vsub.f32 v21, v10;
	v18 =	vmul.f32 v18, v18;
	v19 =	vmul.f32 v19, v19  }
0x72: {  	v28 =	vld [tilespmem:s3+$0xFFFFFFB0];
	v23 =	vsub.f32 v23, v9;
	v25 =	vsub.f32 v25, v9  }
0x73: {  	v27 =	vsub.f32 v27, v11;
	v18 =	vadd.f32 v19, v18;
	v19 =	vmul.f32 v21, v21;
	v21 =	vld [tilespmem:s23+$0x0]  }
0x74: {  	v23 =	vmul.f32 v23, v23;
	v20 =	vsub.f32 v20, v11;
	v22 =	vsub.f32 v22, v9  }
0x75: {  	s22 =	simm.s32 $0x3180;
	v18 =	vadd.f32 v19, v18;
	v19 =	vmul.f32 v24, v24;
	v24 =	vsub.f32 v26, v10  }
0x76: {  	s0 =	sadd.s32 $0x100, s24;
	v13 =	vsub.f32 v13, v10;
	v20 =	vmul.f32 v20, v20;
	v22 =	vmul.f32 v22, v22;
	v26 =	vld [tilespmem:s22+$0xFFFFFF80]  }
0x77: {  	v45 =	vld [tilespmem:s0+$0xFFFFFF80];
	v28 =	vmin.f32 v28, v18;
	v18 =	vadd.f32 v23, v19;
	v19 =	vmul.f32 v24, v24  }
0x78: {  	v23 =	vld [tilespmem:s3+$0x20];
	v24 =	vmul.f32 v25, v25;
	v25 =	vmul.f32 v27, v27;
	v21 =	vsub.f32 v21, v10  }
0x79: {  	v13 =	vmul.f32 v13, v13;
	v27 =	vld [tilespmem:s22+$0x0];
	[tilespmem:s3+$0xFFFFFFB0] =	vst v28;
	v18 =	vadd.f32 v19, v18  }
0x7a: {  	v20 =	vadd.f32 v22, v20;
	v29 =	vld [tilespmem:s8+$0xFFFFFFC0];
	v19 =	vadd.f32 v24, v25;
	v21 =	vmul.f32 v21, v21  }
0x7b: {  	v24 =	vld [tilespmem:s9+$0xFFFFFFC0];
	v18 =	vmin.f32 v26, v18  }
0x7c: {  	v20 =	vadd.f32 v13, v20;
	v22 =	vld [tilespmem:s10+$0xFFFFFFC0];
	v19 =	vadd.f32 v21, v19;
	[tilespmem:s22+$0xFFFFFF80] =	vst v18  }
0x7d: {  	v21 =	vld [tilespmem:s24+$0xFFFFFF90]  }
0x7e: {  	v25 =	vld [tilespmem:s25+$0xFFFFFF90];
	v13 =	vmin.f32 v27, v19;
	v19 =	vmin.f32 v23, v20  }
0x7f: {  	v26 =	vld [tilespmem:s23+$0xFFFFFF90];
	[tilespmem:s3+$0x20] =	vst v19  }
0x80: {  	v27 =	vsub.f32 v29, v11;
	v24 =	vsub.f32 v24, v9;
	v23 =	vld [tilespmem:s8+$0x30]  }
0x81: {  	v29 =	vld [tilespmem:s9+$0x30]  }
0x82: {  	v22 =	vsub.f32 v22, v10;
	[tilespmem:s22+$0x0] =	vst v13;
	v27 =	vmul.f32 v27, v27;
	v24 =	vmul.f32 v24, v24;
	v31 =	vld [tilespmem:s10+$0x30]  }
0x83: {  	v20 =	vld [tilespmem:s23+$0x10];
	v21 =	vsub.f32 v21, v9  }
0x84: {  	v33 =	vld [tilespmem:s3+$0xFFFFFFC0];
	v22 =	vmul.f32 v22, v22;
	v25 =	vsub.f32 v25, v11;
	v24 =	vadd.f32 v24, v27  }
0x85: {  	v62 =	vsub.f32 v45, v9;
	v30 =	vld [tilespmem:s24+$0x10];
	v26 =	vsub.f32 v26, v10;
	v21 =	vmul.f32 v21, v21  }
0x86: {  	v32 =	vld [tilespmem:s25+$0x10];
	v25 =	vmul.f32 v25, v25;
	v22 =	vadd.f32 v22, v24;
	v23 =	vsub.f32 v23, v11  }
0x87: {  	v27 =	vld [tilespmem:s22+$0xFFFFFF90];
	v29 =	vsub.f32 v29, v9;
	v24 =	vsub.f32 v31, v10  }
0x88: {  	v26 =	vmul.f32 v26, v26;
	v20 =	vsub.f32 v20, v10;
	v21 =	vadd.f32 v21, v25  }
0x89: {  	v22 =	vmin.f32 v33, v22;
	v23 =	vmul.f32 v23, v23;
	v25 =	vmul.f32 v29, v29  }
0x8a: {  	v29 =	vsub.f32 v30, v9;
	[tilespmem:s3+$0xFFFFFFC0] =	vst v22;
	v21 =	vadd.f32 v26, v21;
	v26 =	vld [tilespmem:s3+$0x30]  }
0x8b: {  	v30 =	vsub.f32 v32, v11;
	v20 =	vmul.f32 v20, v20;
	v47 =	vld [tilespmem:s8+$0xFFFFFFD0];
	v23 =	vadd.f32 v25, v23  }
0x8c: {  	v39 =	vld [tilespmem:s9+$0xFFFFFFD0];
	v25 =	vmul.f32 v24, v24;
	v24 =	vimm.f32 $-Inf;
	v21 =	vmin.f32 v27, v21  }
0x8d: {  	v30 =	vmul.f32 v30, v30;
	v31 =	vmul.f32 v29, v29;
	v29 =	vimm.s32 $0x0;
	v27 =	vld [tilespmem:s22+$0x10];
	[tilespmem:s22+$0xFFFFFF90] =	vst v21  }
0x8e: {  	vm0 =	vgt.f32 v16, v24;
	vm2 =	vgt.f32 v15, v24;
	v23 =	vadd.f32 v25, v23;
	v46 =	vld [tilespmem:s24+$0xFFFFFFA0]  }
0x8f: {  	s6 =	sadd.s32 $0x100, s23;
	v30 =	vadd.f32 v31, v30;
	v16 =	vsel vm0, v16, v24;
	v15 =	vsel vm2, v15, v24;
	v25 =	vld [tilespmem:s25+$0xFFFFFFA0]  }
0x90: {  	v60 =	vld [tilespmem:s6+$0x0];
	vm1 =	vgt.f32 v17, v16;
	v23 =	vmin.f32 v26, v23;
	v26 =	vsel vm0, s20, v29  }
0x91: {  	v31 =	vld [tilespmem:s23+$0xFFFFFFA0];
	vm0 =	vgt.f32 v12, v24;
	v20 =	vadd.f32 v20, v30;
	v16 =	vsel vm1, v17, v16;
	[tilespmem:s3+$0x30] =	vst v23  }
0x92: {  	s29 =	simm.s32 $0x1;
	v41 =	vsub.f32 v47, v11;
	v59 =	vsub.f32 v39, v9;
	v12 =	vsel vm0, v12, v24;
	v30 =	vld [tilespmem:s8+$0x40]  }
0x93: {  	v26 =	vsel vm1, s29, v26;
	vm1 =	vgt.f32 v14, v12;
	v17 =	vld [tilespmem:s9+$0x40];
	v20 =	vmin.f32 v27, v20  }
0x94: {  	v12 =	vsel vm1, v14, v12;
	v14 =	vld [tilespmem:s10+$0x40];
	v27 =	vsub.f32 v46, v9;
	v25 =	vsub.f32 v25, v11  }
0x95: {  	v39 =	vsub.f32 v60, v10;
	v48 =	vsel vm0, s20, v29;
	vm0 =	vgt.f32 v28, v24  }
0x96: {  	v36 =	vld [tilespmem:s22+$0xFFFFFFA0];
	[tilespmem:s22+$0x10] =	vst v20;
	v31 =	vsub.f32 v31, v10;
	v27 =	vmul.f32 v27, v27;
	v25 =	vmul.f32 v25, v25  }
0x97: {  	v40 =	vsel vm0, s20, v29;
	v61 =	vmul.f32 v41, v41;
	v37 =	vld [tilespmem:s25+$0x20];
	v30 =	vsub.f32 v30, v11  }
0x98: {  	v38 =	vld [tilespmem:s24+$0x20];
	v17 =	vsub.f32 v17, v9;
	v25 =	vadd.f32 v27, v25;
	v27 =	vmul.f32 v31, v31  }
0x99: {  	v34 =	vld [tilespmem:s10+$0xFFFFFFD0];
	v32 =	vsel vm1, s29, v48;
	vm1 =	vgt.f32 v21, v16;
	v14 =	vsub.f32 v14, v10  }
0x9a: {  	s26 =	simm.s32 $0x2;
	v30 =	vmul.f32 v30, v30;
	v17 =	vmul.f32 v17, v17;
	v25 =	vadd.f32 v27, v25  }
0x9b: {  	v49 =	vld [tilespmem:s3+$0x40];
	v21 =	vsel vm1, v21, v16;
	v26 =	vsel vm1, s26, v26;
	v31 =	vsel vm2, s20, v29  }
0x9c: {  	v35 =	vld [tilespmem:s23+$0x20];
	v14 =	vmul.f32 v14, v14;
	v36 =	vmin.f32 v36, v25;
	v25 =	vadd.f32 v17, v30  }
0x9d: {  	v56 =	vld [tilespmem:s3+$0x50];
	vm2 =	vgt.f32 v19, v15;
	v52 =	vsub.f32 v37, v11;
	v53 =	vsub.f32 v38, v9;
	[tilespmem:s22+$0xFFFFFFA0] =	vst v36  }
0x9e: {  	v27 =	vsel vm0, v28, v24;
	v28 =	vsub.f32 v34, v10;
	v43 =	vld [tilespmem:s25+$0xFFFFFFB0];
	v14 =	vadd.f32 v14, v25  }
0x9f: {  	v19 =	vsel vm2, v19, v15;
	vm0 =	vgt.f32 v23, v27;
	v34 =	vmul.f32 v52, v52;
	v50 =	vld [tilespmem:s24+$0xFFFFFFB0]  }
0xa0: {  	v44 =	vld [tilespmem:s22+$0xFFFFFFB0];
	v42 =	vmul.f32 v28, v28;
	v27 =	vsel vm0, v23, v27;
	v14 =	vmin.f32 v49, v14  }
0xa1: {  	s28 =	simm.s32 $0x3;
	v23 =	vsub.f32 v35, v10;
	v16 =	vsel vm0, s29, v40;
	vm0 =	vgt.f32 v20, v21;
	v51 =	vld [tilespmem:s23+$0xFFFFFFB0];
	[tilespmem:s3+$0x40] =	vst v14  }
0xa2: {  	v33 =	vsel vm0, s28, v26;
	vm1 =	vgt.f32 v36, v19;
	v25 =	vsel vm0, v20, v21;
	v20 =	vld [tilespmem:s8+$0x50]  }
0xa3: {  	vm0 =	vgt.f32 v22, v24;
	v21 =	vsel vm2, s29, v31;
	vm2 =	vgt.f32 v18, v12;
	v15 =	vld [tilespmem:s9+$0x50]  }
0xa4: {  	v22 =	vsel vm0, v22, v24;
	v54 =	vld [tilespmem:s10+$0x50];
	v26 =	vsub.f32 v43, v11;
	v31 =	vsub.f32 v50, v9  }
0xa5: {  	v58 =	vld [tilespmem:s0+$0x0];
	v18 =	vsel vm2, v18, v12;
	v57 =	vsel vm0, s20, v29;
	vm0 =	vgt.f32 v14, v22  }
0xa6: {  	s4 =	sadd.s32 $0x100, s25;
	v55 =	vld [tilespmem:s3+$0xFFFFFFD0];
	v12 =	vsub.f32 v51, v10;
	v26 =	vmul.f32 v26, v26;
	v31 =	vmul.f32 v31, v31  }
0xa7: {  	v46 =	vld [tilespmem:s4+$0xFFFFFF80];
	v23 =	vmul.f32 v23, v23;
	v14 =	vsel vm0, v14, v22;
	v20 =	vsub.f32 v20, v11  }
0xa8: {  	v22 =	vld [tilespmem:s4+$0x0];
	v12 =	vmul.f32 v12, v12;
	v26 =	vadd.f32 v31, v26;
	v15 =	vsub.f32 v15, v9  }
0xa9: {  	v17 =	vld [tilespmem:s3+$0xFFFFFFE0];
	v31 =	vsel vm2, s26, v32;
	vm2 =	vgt.f32 v13, v18;
	v35 =	vsub.f32 v54, v10  }
0xaa: {  	v28 =	vld [tilespmem:s3+$0x60];
	v20 =	vmul.f32 v20, v20;
	v26 =	vadd.f32 v12, v26;
	v47 =	vmul.f32 v15, v15  }
0xab: {  	s1 =	simm.s32 $0x3280;
	v50 =	vmul.f32 v62, v62;
	v15 =	vsel vm2, v13, v18;
	v13 =	vsel vm2, s28, v31;
	v31 =	vld [tilespmem:s6+$0xFFFFFF80]  }
0xac: {  	v49 =	vld [tilespmem:s1+$0xFFFFFF80];
	v44 =	vmin.f32 v44, v26;
	v20 =	vadd.f32 v47, v20;
	v26 =	vmul.f32 v35, v35  }
0xad: {  	v43 =	vld [tilespmem:s22+$0x20];
	v32 =	vsub.f32 v58, v9;
	v22 =	vsub.f32 v22, v11;
	v35 =	vmul.f32 v59, v59  }
0xae: {  	v51 =	vld [tilespmem:s1+$0x0];
	v12 =	vsel vm0, s29, v57;
	v18 =	vsel vm1, v36, v19;
	[tilespmem:s22+$0xFFFFFFB0] =	vst v44;
	v19 =	vadd.f32 v26, v20  }
0xaf: {  	v32 =	vmul.f32 v32, v32;
	v20 =	vsub.f32 v46, v11;
	v26 =	vld [tilespmem:s25+$0xFFFFFFC0];
	v35 =	vadd.f32 v35, v61  }
0xb0: {  	v22 =	vmul.f32 v22, v22;
	v63 =	vld [tilespmem:s24+$0xFFFFFFC0];
	v31 =	vsub.f32 v31, v10;
	v19 =	vmin.f32 v56, v19  }
0xb1: {  	v48 =	vmul.f32 v20, v20;
	v20 =	vsel vm1, s26, v21;
	v21 =	vld [tilespmem:s23+$0xFFFFFFC0];
	v35 =	vadd.f32 v42, v35;
	[tilespmem:s3+$0x50] =	vst v19  }
0xb2: {  	v32 =	vadd.f32 v32, v22;
	v22 =	vmul.f32 v53, v53;
	vm0 =	vgt.f32 v44, v27;
	v52 =	vld [tilespmem:s8+$0x60]  }
0xb3: {  	v31 =	vmul.f32 v31, v31;
	v36 =	vadd.f32 v50, v48;
	v35 =	vmin.f32 v55, v35;
	v53 =	vld [tilespmem:s9+$0x60]  }
0xb4: {  	v54 =	vmul.f32 v39, v39;
	v34 =	vadd.f32 v22, v34;
	v27 =	vsel vm0, v44, v27;
	v55 =	vld [tilespmem:s10+$0x60];
	[tilespmem:s3+$0xFFFFFFD0] =	vst v35  }
0xb5: {  	vm1 =	vgt.f32 v35, v24;
	v61 =	vsub.f32 v63, v9;
	v31 =	vadd.f32 v31, v36;
	v56 =	vld [tilespmem:s8+$0xFFFFFFE0]  }
0xb6: {  	v39 =	vsel vm1, s20, v29;
	v35 =	vsel vm1, v35, v24;
	v57 =	vld [tilespmem:s9+$0xFFFFFFE0];
	v21 =	vsub.f32 v21, v10  }
0xb7: {  	v58 =	vld [tilespmem:s10+$0xFFFFFFE0];
	vm1 =	vgt.f32 v19, v35;
	v22 =	vmin.f32 v49, v31;
	v31 =	vsub.f32 v26, v11  }
0xb8: {  	v36 =	vld [tilespmem:s22+$0x30];
	v26 =	vadd.f32 v54, v32;
	v32 =	vmul.f32 v21, v21;
	v21 =	vadd.f32 v23, v34;
	[tilespmem:s1+$0xFFFFFF80] =	vst v22  }
0xb9: {  	v41 =	vmul.f32 v61, v61;
	v40 =	vsub.f32 v52, v11;
	v37 =	vsub.f32 v53, v9;
	v59 =	vld [tilespmem:s6+$0xFFFFFF90]  }
0xba: {  	v23 =	vmin.f32 v51, v26;
	v60 =	vld [tilespmem:s0+$0xFFFFFF90];
	v26 =	vmin.f32 v43, v21;
	v21 =	vsub.f32 v55, v10  }
0xbb: {  	v31 =	vmul.f32 v31, v31;
	v48 =	vld [tilespmem:s4+$0xFFFFFF90];
	v42 =	vsub.f32 v56, v11;
	v63 =	vsub.f32 v57, v9  }
0xbc: {  	[tilespmem:s1+$0x0] =	vst v23;
	v40 =	vmul.f32 v40, v40;
	v37 =	vmul.f32 v37, v37;
	v34 =	vsub.f32 v58, v10;
	v58 =	vld [tilespmem:s22+$0xFFFFFFC0]  }
0xbd: {  	v62 =	vld [tilespmem:s6+$0x10];
	v31 =	vadd.f32 v41, v31;
	v42 =	vmul.f32 v42, v42;
	v45 =	vmul.f32 v63, v63  }
0xbe: {  	[tilespmem:s22+$0x20] =	vst v26;
	v49 =	vld [tilespmem:s0+$0x10];
	v37 =	vadd.f32 v37, v40;
	v53 =	vmul.f32 v21, v21;
	v21 =	vsel vm1, v19, v35  }
0xbf: {  	v52 =	vld [tilespmem:s25+$0x30];
	v34 =	vmul.f32 v34, v34;
	v31 =	vadd.f32 v32, v31;
	v56 =	vadd.f32 v45, v42  }
0xc0: {  	v19 =	vsel vm1, s29, v39;
	v63 =	vld [tilespmem:s23+$0x30];
	v54 =	vadd.f32 v53, v37;
	v57 =	vsub.f32 v59, v10  }
0xc1: {  	v55 =	vld [tilespmem:s24+$0x30];
	v38 =	vsub.f32 v60, v9;
	v37 =	vsel vm0, s26, v16;
	v34 =	vadd.f32 v34, v56  }
0xc2: {  	v60 =	vld [tilespmem:s4+$0x10];
	v35 =	vmin.f32 v28, v54;
	v28 =	vsub.f32 v48, v11;
	v39 =	vmul.f32 v57, v57  }
0xc3: {  	v41 =	vld [tilespmem:s1+$0x10];
	v43 =	vsub.f32 v62, v10;
	v61 =	vmul.f32 v38, v38;
	v62 =	vsub.f32 v49, v9  }
0xc4: {  	v40 =	vld [tilespmem:s1+$0xFFFFFF90];
	v59 =	vsub.f32 v52, v11;
	[tilespmem:s3+$0x60] =	vst v35;
	v17 =	vmin.f32 v17, v34;
	v52 =	vmul.f32 v28, v28  }
0xc5: {  	v43 =	vmul.f32 v43, v43;
	v28 =	vmin.f32 v58, v31;
	v58 =	vsub.f32 v63, v10;
	v63 =	vld [tilespmem:s10+$0x70]  }
0xc6: {  	v31 =	vsub.f32 v55, v9;
	v42 =	vmul.f32 v59, v59;
	[tilespmem:s3+$0xFFFFFFE0] =	vst v17;
	vm1 =	vgt.f32 v17, v24;
	v59 =	vld [tilespmem:s8+$0x70]  }
0xc7: {  	v38 =	vmul.f32 v62, v62;
	v44 =	vsub.f32 v60, v11;
	v54 =	vld [tilespmem:s8+$0xFFFFFFF0];
	v17 =	vsel vm1, v17, v24  }
0xc8: {  	v55 =	vld [tilespmem:s9+$0xFFFFFFF0];
	v34 =	vadd.f32 v61, v52;
	v31 =	vmul.f32 v31, v31;
	vm0 =	vgt.f32 v35, v17  }
0xc9: {  	[tilespmem:s22+$0xFFFFFFC0] =	vst v28;
	v53 =	vsel vm1, s20, v29;
	v56 =	vld [tilespmem:s10+$0xFFFFFFF0];
	v44 =	vmul.f32 v44, v44;
	v17 =	vsel vm0, v35, v17  }
0xca: {  	v60 =	vld [tilespmem:s23+$0xFFFFFFD0];
	v34 =	vadd.f32 v39, v34;
	v62 =	vadd.f32 v31, v42;
	v35 =	vmul.f32 v58, v58  }
0xcb: {  	v57 =	vld [tilespmem:s25+$0xFFFFFFD0];
	v16 =	vsel vm0, s29, v53;
	vm0 =	vgt.f32 v26, v18;
	v38 =	vadd.f32 v38, v44  }
0xcc: {  	v53 =	vld [tilespmem:s9+$0x70];
	v58 =	vsub.f32 v63, v10;
	v34 =	vmin.f32 v40, v34;
	v35 =	vadd.f32 v35, v62  }
0xcd: {  	v47 =	vld [tilespmem:s3+$0xFFFFFFF0];
	v39 =	vsub.f32 v59, v11;
	v61 =	vsub.f32 v54, v11;
	[tilespmem:s1+$0xFFFFFF90] =	vst v34;
	vm1 =	vgt.f32 v34, v25  }
0xce: {  	v52 =	vsub.f32 v56, v10;
	v32 =	vsub.f32 v55, v9;
	v31 =	vsel vm1, v34, v25;
	v25 =	vld [tilespmem:s0+$0xFFFFFFA0]  }
0xcf: {  	v38 =	vadd.f32 v43, v38;
	v45 =	vsub.f32 v60, v10;
	v54 =	vld [tilespmem:s6+$0xFFFFFFA0];
	v36 =	vmin.f32 v36, v35  }
0xd0: {  	v34 =	vsub.f32 v57, v11;
	v56 =	vld [tilespmem:s4+$0xFFFFFFA0];
	v39 =	vmul.f32 v39, v39;
	v55 =	vmul.f32 v61, v61;
	[tilespmem:s22+$0x30] =	vst v36  }
0xd1: {  	s31 =	simm.s32 $0x4;
	v35 =	vmin.f32 v41, v38;
	v57 =	vmul.f32 v32, v32;
	v60 =	vsub.f32 v53, v9;
	v59 =	vld [tilespmem:s25+$0x40]  }
0xd2: {  	v33 =	vsel vm1, s31, v33;
	v32 =	vmul.f32 v45, v45;
	v44 =	vmul.f32 v52, v52;
	[tilespmem:s1+$0x10] =	vst v35;
	v53 =	vld [tilespmem:s24+$0x40]  }
0xd3: {  	vm2 =	vgt.f32 v36, v27;
	v62 =	vld [tilespmem:s4+$0x20];
	v38 =	vadd.f32 v57, v55;
	v63 =	vmul.f32 v60, v60  }
0xd4: {  	v41 =	vmul.f32 v58, v58;
	v61 =	vld [tilespmem:s6+$0x20];
	v25 =	vsub.f32 v25, v9;
	v40 =	vsub.f32 v54, v10  }
0xd5: {  	v30 =	vld [tilespmem:s3+$0x70];
	v27 =	vsel vm2, v36, v27;
	v48 =	vsub.f32 v56, v11;
	v39 =	vadd.f32 v63, v39  }
0xd6: {  	v54 =	vld [tilespmem:s23+$0x40];
	v56 =	vadd.f32 v44, v38;
	v52 =	vmul.f32 v25, v25;
	v25 =	vsel vm2, s28, v37  }
0xd7: {  	v58 =	vld [tilespmem:s0+$0x20];
	v55 =	vsub.f32 v59, v11;
	v57 =	vmul.f32 v48, v48;
	v39 =	vadd.f32 v41, v39  }
0xd8: {  	v42 =	vmin.f32 v47, v56;
	v36 =	vsub.f32 v53, v9;
	v38 =	vsub.f32 v62, v11  }
0xd9: {  	v60 =	vld [tilespmem:s1+$0xFFFFFFA0];
	v61 =	vsub.f32 v61, v10;
	v62 =	vmul.f32 v40, v40;
	vm1 =	vgt.f32 v42, v24  }
0xda: {  	v59 =	vmul.f32 v55, v55;
	v37 =	vmin.f32 v30, v39;
	v30 =	vadd.f32 v52, v57  }
0xdb: {  	v63 =	vmul.f32 v36, v36;
	v40 =	vsel vm1, v42, v24;
	v43 =	vsub.f32 v54, v10  }
0xdc: {  	[tilespmem:s3+$0xFFFFFFF0] =	vst v42;
	v39 =	vld [tilespmem:s24+$0xFFFFFFD0];
	v42 =	vsub.f32 v58, v9;
	v41 =	vmul.f32 v61, v61;
	v24 =	vadd.f32 v62, v30  }
0xdd: {  	s11 =	simm.s32 $0x6;
	s19 =	simm.s32 $0x5;
	s30 =	simm.s32 $0x3280;
	vm2 =	vgt.f32 v37, v40;
	v30 =	vsel vm1, s20, v29;
	v44 =	vmul.f32 v43, v43;
	v43 =	vld [tilespmem:s22+$0x40]  }
0xde: {  	s5 =	smov.u32 s4;
	s7 =	smov.u32 s6;
	[tilespmem:s3+$0x70] =	vst v37;
	s3 =	smov.u32 s0;
	vm1 =	vgt.f32 v35, v31;
	v45 =	vadd.f32 v63, v59;
	v36 =	vmin.f32 v60, v24;
	v24 =	vld [tilespmem:s22+$0x70]  }
.LBB2_5:
0xdf: {  	p1 =	slt.u32 s11, $0xE;
	[tilespmem:s1+$0xFFFFFFA0] =	vst v36;
	v31 =	vsel vm1, v35, v31;
	v33 =	vsel vm1, s19, v33;
	v35 =	vld [tilespmem:s22+$0xFFFFFFE0];
	v29 =	vsel vm2, v37, v40;
	s12 =	smov.u32 s11;
	s11 =	sadd.s32 $0x2, s11  }
0xe0: {  	v18 =	vsel vm0, v26, v18;
	v30 =	vsel vm2, s29, v30;
	s29 =	smov.u32 s28;
	s28 =	smov.u32 s19;
	v37 =	vld [tilespmem:s4+$0xFFFFFFB0];
	v26 =	vadd.f32 v44, v45  }
0xe1: {  	vm2 =	vgt.f32 v28, v14;
	vm1 =	vgt.f32 v36, v18;
	v20 =	vsel vm0, s29, v20;
	v40 =	vld [tilespmem:s0+$0xFFFFFFB0]  }
0xe2: {  	vm0 =	vgt.f32 v22, v15;
	v14 =	vsel vm2, v28, v14;
	v44 =	vld [tilespmem:s6+$0xFFFFFFB0];
	v26 =	vmin.f32 v43, v26  }
0xe3: {  	v12 =	vsel vm2, s26, v12;
	v15 =	vsel vm0, v22, v15;
	[tilespmem:s22+$0x40] =	vst v26;
	vm2 =	vgt.f32 v26, v14;
	v28 =	vld [tilespmem:s22+$0x60]  }
0xe4: {  	v13 =	vsel vm0, s31, v13;
	v14 =	vsel vm2, v26, v14;
	v12 =	vsel vm2, s29, v12;
	v22 =	vld [tilespmem:s25+$0x50]  }
0xe5: {  	vm0 =	vgt.f32 v23, v15;
	v26 =	vsub.f32 v37, v11;
	v37 =	vld [tilespmem:s24+$0x50]  }
0xe6: {  	v15 =	vsel vm0, v23, v15;
	v13 =	vsel vm0, s28, v13;
	v40 =	vsub.f32 v40, v9;
	v23 =	vld [tilespmem:s23+$0x50]  }
0xe7: {  	s6 =	sadd.s32 $0x100, s6;
	v43 =	vsub.f32 v44, v10;
	v26 =	vmul.f32 v26, v26;
	v44 =	vld [tilespmem:s22+$0xFFFFFFD0]  }
0xe8: {  	s4 =	sadd.s32 $0x100, s4;
	v40 =	vmul.f32 v40, v40;
	v45 =	vld [tilespmem:s22+$0x50]  }
0xe9: {  	s0 =	sadd.s32 $0x100, s0;
	v46 =	vld [tilespmem:s1+$0xFFFFFFB0];
	v22 =	vsub.f32 v22, v11  }
0xea: {  	v47 =	vld [tilespmem:s0+$0xFFFFFF80];
	v26 =	vadd.f32 v40, v26;
	v40 =	vmul.f32 v43, v43;
	v37 =	vsub.f32 v37, v9  }
0xeb: {  	v43 =	vld [tilespmem:s0+$0x0];
	v23 =	vsub.f32 v23, v10;
	v22 =	vmul.f32 v22, v22  }
0xec: {  	v48 =	vld [tilespmem:s4+$0xFFFFFF80];
	v26 =	vadd.f32 v40, v26;
	v37 =	vmul.f32 v37, v37  }
0xed: {  	v40 =	vld [tilespmem:s1+$0x20]  }
0xee: {  	v23 =	vmul.f32 v23, v23;
	v49 =	vld [tilespmem:s4+$0x0];
	v46 =	vmin.f32 v46, v26;
	v22 =	vadd.f32 v37, v22  }
0xef: {  	v37 =	vsub.f32 v39, v9;
	v26 =	vld [tilespmem:s6+$0xFFFFFF80];
	[tilespmem:s1+$0xFFFFFFB0] =	vst v46;
	vm0 =	vgt.f32 v46, v27  }
0xf0: {  	v18 =	vsel vm1, v36, v18;
	v39 =	vsub.f32 v43, v9;
	v43 =	vld [tilespmem:s6+$0x0];
	v22 =	vadd.f32 v23, v22  }
0xf1: {  	v34 =	vmul.f32 v34, v34;
	v37 =	vmul.f32 v37, v37;
	v23 =	vsub.f32 v48, v11;
	v36 =	vld [tilespmem:s5+$0xFFFFFFC0]  }
0xf2: {  	v47 =	vsub.f32 v47, v9;
	s1 =	sadd.s32 $0x100, s1;
	v39 =	vmul.f32 v39, v39;
	v48 =	vld [tilespmem:s3+$0xFFFFFFC0];
	v45 =	vmin.f32 v45, v22  }
0xf3: {  	v34 =	vadd.f32 v37, v34;
	v22 =	vmul.f32 v23, v23;
	v23 =	vld [tilespmem:s1+$0xFFFFFF80];
	v49 =	vsub.f32 v49, v11;
	[tilespmem:s22+$0x50] =	vst v45  }
0xf4: {  	v20 =	vsel vm1, s31, v20;
	v37 =	vmul.f32 v47, v47;
	v26 =	vsub.f32 v26, v10;
	v47 =	vld [tilespmem:s7+$0xFFFFFFC0]  }
0xf5: {  	v32 =	vadd.f32 v32, v34;
	v43 =	vsub.f32 v43, v10;
	v49 =	vmul.f32 v49, v49;
	v50 =	vld [tilespmem:s1+$0x0]  }
0xf6: {  	v34 =	vmul.f32 v38, v38;
	v22 =	vadd.f32 v37, v22;
	v26 =	vmul.f32 v26, v26;
	v37 =	vld [tilespmem:s25+$0x60]  }
0xf7: {  	v32 =	vmin.f32 v44, v32;
	v38 =	vadd.f32 v39, v49;
	v39 =	vmul.f32 v42, v42;
	v42 =	vld [tilespmem:s24+$0x60]  }
0xf8: {  	vm1 =	vgt.f32 v32, v21;
	v22 =	vadd.f32 v26, v22;
	v26 =	vmul.f32 v43, v43;
	[tilespmem:s22+$0xFFFFFFD0] =	vst v32;
	v43 =	vld [tilespmem:s23+$0x60]  }
0xf9: {  	v19 =	vsel vm1, s26, v19;
	v44 =	vsub.f32 v47, v10;
	v34 =	vadd.f32 v39, v34;
	v39 =	vld [tilespmem:s25+$0xFFFFFFE0]  }
0xfa: {  	v36 =	vsub.f32 v36, v11;
	v21 =	vsel vm1, v32, v21;
	v22 =	vmin.f32 v23, v22;
	v47 =	vld [tilespmem:s24+$0xFFFFFFE0]  }
0xfb: {  	v23 =	vadd.f32 v26, v38;
	v38 =	vmul.f32 v44, v44;
	v26 =	vadd.f32 v41, v34;
	v34 =	vld [tilespmem:s23+$0xFFFFFFE0]  }
0xfc: {  	vm1 =	vgt.f32 v45, v21;
	v37 =	vsub.f32 v37, v11;
	[tilespmem:s1+$0xFFFFFF80] =	vst v22;
	v32 =	vld [tilespmem:s30+$0x30];
	v41 =	vsub.f32 v42, v9  }
0xfd: {  	v23 =	vmin.f32 v50, v23;
	v42 =	vld [tilespmem:s6+$0xFFFFFF90];
	v26 =	vmin.f32 v40, v26;
	v40 =	vsub.f32 v43, v10  }
0xfe: {  	v44 =	vsub.f32 v48, v9;
	v37 =	vmul.f32 v37, v37;
	v43 =	vld [tilespmem:s0+$0xFFFFFF90];
	[tilespmem:s1+$0x0] =	vst v23;
	v41 =	vmul.f32 v41, v41  }
0xff: {  	v36 =	vmul.f32 v36, v36;
	v39 =	vsub.f32 v39, v11;
	v48 =	vld [tilespmem:s6+$0x10];
	[tilespmem:s30+$0x20] =	vst v26;
	v47 =	vsub.f32 v47, v9  }
0x100: {  	v44 =	vmul.f32 v44, v44;
	v40 =	vmul.f32 v40, v40;
	v49 =	vld [tilespmem:s5+$0x30];
	v37 =	vadd.f32 v41, v37  }
0x101: {  	v34 =	vsub.f32 v34, v10;
	v39 =	vmul.f32 v39, v39;
	v41 =	vld [tilespmem:s4+$0xFFFFFF90];
	v47 =	vmul.f32 v47, v47  }
0x102: {  	v21 =	vsel vm1, v45, v21;
	v36 =	vadd.f32 v44, v36;
	v50 =	vld [tilespmem:s0+$0x10];
	v37 =	vadd.f32 v40, v37  }
0x103: {  	v19 =	vsel vm1, s29, v19;
	v34 =	vmul.f32 v34, v34;
	v40 =	vld [tilespmem:s3+$0x30];
	v39 =	vadd.f32 v47, v39  }
0x104: {  	v27 =	vsel vm0, v46, v27;
	v36 =	vadd.f32 v38, v36;
	v42 =	vsub.f32 v42, v10;
	v38 =	vld [tilespmem:s30+$0xFFFFFFC0]  }
0x105: {  	v37 =	vmin.f32 v28, v37;
	v44 =	vld [tilespmem:s1+$0x10];
	v45 =	vsub.f32 v49, v11;
	v34 =	vadd.f32 v34, v39  }
0x106: {  	v39 =	vsub.f32 v43, v9;
	v28 =	vsub.f32 v41, v11;
	v41 =	vmul.f32 v42, v42;
	v42 =	vld [tilespmem:s1+$0xFFFFFF90];
	[tilespmem:s22+$0x60] =	vst v37  }
0x107: {  	v46 =	vsub.f32 v48, v10;
	v43 =	vld [tilespmem:s4+$0x10];
	v45 =	vmul.f32 v45, v45;
	v34 =	vmin.f32 v35, v34  }
0x108: {  	v35 =	vmul.f32 v39, v39;
	v39 =	vsub.f32 v50, v9;
	v47 =	vld [tilespmem:s7+$0x30];
	[tilespmem:s22+$0xFFFFFFE0] =	vst v34;
	vm1 =	vgt.f32 v34, v17  }
0x109: {  	v46 =	vmul.f32 v46, v46;
	v48 =	vmul.f32 v28, v28;
	v16 =	vsel vm1, s26, v16;
	v49 =	vld [tilespmem:s25+$0xFFFFFFF0]  }
0x10a: {  	v28 =	vmin.f32 v38, v36;
	v36 =	vsub.f32 v40, v9;
	v17 =	vsel vm1, v34, v17;
	v34 =	vld [tilespmem:s24+$0xFFFFFFF0]  }
0x10b: {  	v25 =	vsel vm0, s31, v25;
	v35 =	vadd.f32 v35, v48;
	vm0 =	vgt.f32 v37, v17;
	[tilespmem:s30+$0xFFFFFFC0] =	vst v28;
	v38 =	vld [tilespmem:s23+$0xFFFFFFF0]  }
0x10c: {  	v17 =	vsel vm0, v37, v17;
	v16 =	vsel vm0, s29, v16;
	v40 =	vsub.f32 v43, v11;
	v43 =	vld [tilespmem:s5+$0xFFFFFFD0]  }
0x10d: {  	v36 =	vmul.f32 v36, v36;
	v35 =	vadd.f32 v41, v35;
	v37 =	vsub.f32 v47, v10;
	v41 =	vld [tilespmem:s25+$0x70];
	s25 =	smov.u32 s5;
	s5 =	smov.u32 s4  }
0x10e: {  	v39 =	vmul.f32 v39, v39;
	v40 =	vmul.f32 v40, v40;
	v47 =	vld [tilespmem:s7+$0xFFFFFFD0];
	v48 =	vsub.f32 v49, v11  }
0x10f: {  	v36 =	vadd.f32 v36, v45;
	v35 =	vmin.f32 v42, v35;
	v37 =	vmul.f32 v37, v37;
	v42 =	vld [tilespmem:s23+$0x70];
	s23 =	smov.u32 s7;
	s7 =	smov.u32 s6  }
0x110: {  	vm1 =	vgt.f32 v35, v31;
	[tilespmem:s1+$0xFFFFFF90] =	vst v35;
	v39 =	vadd.f32 v39, v40;
	v38 =	vsub.f32 v38, v10;
	v40 =	vld [tilespmem:s24+$0x70];
	s24 =	smov.u32 s3;
	s3 =	smov.u32 s0  }
0x111: {  	v31 =	vsel vm1, v35, v31;
	v45 =	vld [tilespmem:s0+$0xFFFFFFA0];
	v35 =	vadd.f32 v37, v36;
	v36 =	vsub.f32 v34, v9  }
0x112: {  	v37 =	vld [tilespmem:s6+$0xFFFFFFA0];
	v39 =	vadd.f32 v46, v39;
	v46 =	vmul.f32 v48, v48;
	v41 =	vsub.f32 v41, v11  }
0x113: {  	v34 =	vsub.f32 v43, v11;
	v43 =	vsub.f32 v47, v10;
	v47 =	vmin.f32 v32, v35;
	v48 =	vld [tilespmem:s22+$0xFFFFFFF0]  }
0x114: {  	v36 =	vmul.f32 v36, v36;
	v49 =	vld [tilespmem:s4+$0xFFFFFFA0];
	v35 =	vmin.f32 v44, v39;
	[tilespmem:s30+$0x30] =	vst v47;
	v39 =	vsub.f32 v42, v10  }
0x115: {  	v38 =	vmul.f32 v38, v38;
	[tilespmem:s1+$0x10] =	vst v35;
	v32 =	vmul.f32 v43, v43;
	v42 =	vld [tilespmem:s25+$0x40];
	v40 =	vsub.f32 v40, v9  }
0x116: {  	vm2 =	vgt.f32 v47, v27;
	v41 =	vmul.f32 v41, v41;
	v43 =	vsub.f32 v45, v9;
	v44 =	vld [tilespmem:s6+$0x20]  }
0x117: {  	v36 =	vadd.f32 v36, v46;
	v45 =	vsub.f32 v37, v10;
	v37 =	vld [tilespmem:s4+$0x20];
	v40 =	vmul.f32 v40, v40  }
0x118: {  	v27 =	vsel vm2, v47, v27;
	v39 =	vmul.f32 v39, v39;
	v43 =	vmul.f32 v43, v43;
	v46 =	vld [tilespmem:s24+$0x40]  }
0x119: {  	vm0 =	vgt.f32 v26, v18;
	v47 =	vsub.f32 v49, v11;
	v49 =	vld [tilespmem:s23+$0x40];
	v40 =	vadd.f32 v40, v41  }
0x11a: {  	v25 =	vsel vm2, s28, v25;
	v36 =	vadd.f32 v38, v36;
	v41 =	vsub.f32 v42, v11  }
0x11b: {  	v33 =	vsel vm1, s12, v33;
	v42 =	vmul.f32 v47, v47;
	v47 =	vld [tilespmem:s0+$0x20];
	v40 =	vadd.f32 v39, v40  }
0x11c: {  	v36 =	vmin.f32 v48, v36;
	v38 =	vsub.f32 v37, v11;
	v39 =	vld [tilespmem:s24+$0xFFFFFFD0];
	v50 =	vmul.f32 v41, v41  }
0x11d: {  	v41 =	vsub.f32 v44, v10;
	v48 =	vld [tilespmem:s1+$0xFFFFFFA0];
	v44 =	vsub.f32 v46, v9;
	[tilespmem:s22+$0xFFFFFFF0] =	vst v36;
	v37 =	vmin.f32 v24, v40  }
.Ltmp5:
0x11e: {  	vm1 =	vgt.f32 v36, v29;
	v24 =	vadd.f32 v43, v42;
	v42 =	vmul.f32 v45, v45;
	[tilespmem:s22+$0x70] =	vst v37;
	s22 =	smov.u32 s30;
	s30 =	smov.u32 s1;
	(pc) =	sbr.rel @p1 .LBB2_5-.Ltmp5, $4  }
0x11f: {  	v40 =	vsel vm1, v36, v29;
	v43 =	vsub.f32 v49, v10;
	v45 =	vmul.f32 v44, v44  }
0x120: {  	v30 =	vsel vm1, s26, v30;
	s26 =	smov.u32 s31;
	s31 =	smov.u32 s12;
	v41 =	vmul.f32 v41, v41;
	v24 =	vadd.f32 v42, v24  }
0x121: {  	vm1 =	vgt.f32 v35, v31;
	v42 =	vsub.f32 v47, v9;
	v44 =	vmul.f32 v43, v43;
	v43 =	vld [tilespmem:s22+$0x40]  }
0x122: {  	s19 =	sadd.s32 $0x1, s31;
	vm2 =	vgt.f32 v37, v40;
	v45 =	vadd.f32 v45, v50;
	v36 =	vmin.f32 v48, v24;
	v24 =	vld [tilespmem:s22+$0x70]  }
0x123: {  	v29 =	vmul.f32 v38, v38;
	v61 =	vmul.f32 v42, v42  }
0x124: {  	v62 =	vld [tilespmem:s1+$0x20]  }
0x125: {  	v29 =	vadd.f32 v61, v29;
	_ =	sdelay $0x1  }
0x126: {  	[tilespmem:s1+$0xFFFFFFA0] =	vst v36;
	v29 =	vadd.f32 v41, v29  }
0x127: {  	v63 =	vld [tilespmem:s4+$0xFFFFFFB0]  }
0x128: {  	v52 =	vld [tilespmem:s0+$0xFFFFFFB0];
	v29 =	vmin.f32 v62, v29  }
0x129: {  	v55 =	vld [tilespmem:s6+$0xFFFFFFB0];
	[tilespmem:s30+$0x20] =	vst v29  }
0x12a: {  	v47 =	vld [tilespmem:s5+$0x30]  }
0x12b: {  	v53 =	vadd.f32 v44, v45;
	v54 =	vld [tilespmem:s3+$0x30];
	_ =	sdelay $0x1  }
0x12c: {  	v42 =	vmin.f32 v43, v53;
	v38 =	vsub.f32 v63, v11;
	v41 =	vsub.f32 v52, v9;
	v56 =	vld [tilespmem:s7+$0x30]  }
0x12d: {  	v51 =	vld [tilespmem:s1+$0xFFFFFFB0];
	[tilespmem:s22+$0x40] =	vst v42  }
0x12e: {  	v48 =	vld [tilespmem:s25+$0x50];
	v45 =	vsub.f32 v55, v10;
	v38 =	vmul.f32 v38, v38;
	v41 =	vmul.f32 v41, v41  }
0x12f: {  	v49 =	vld [tilespmem:s24+$0x50];
	v47 =	vsub.f32 v47, v11;
	v44 =	vsub.f32 v54, v9  }
0x130: {  	v57 =	vmul.f32 v45, v45;
	v38 =	vadd.f32 v41, v38  }
0x131: {  	v50 =	vld [tilespmem:s23+$0x50];
	v43 =	vsub.f32 v56, v10;
	v47 =	vmul.f32 v47, v47;
	v44 =	vmul.f32 v44, v44  }
0x132: {  	v46 =	vld [tilespmem:s30+$0x30];
	v38 =	vadd.f32 v57, v38  }
0x133: {  	v43 =	vmul.f32 v43, v43;
	v44 =	vadd.f32 v44, v47  }
0x134: {  	v58 =	vsub.f32 v48, v11;
	v59 =	vsub.f32 v49, v9;
	v41 =	vmin.f32 v51, v38  }
0x135: {  	v39 =	vsub.f32 v39, v9;
	v61 =	vld [tilespmem:s22+$0x50];
	[tilespmem:s1+$0xFFFFFFB0] =	vst v41;
	v43 =	vadd.f32 v43, v44  }
0x136: {  	v60 =	vsub.f32 v50, v10;
	v45 =	vmul.f32 v58, v58;
	v48 =	vmul.f32 v59, v59;
	v57 =	vld [tilespmem:s3+$0xFFFFFFC0]  }
0x137: {  	v34 =	vmul.f32 v34, v34;
	v31 =	vsel vm1, v35, v31;
	v44 =	vld [tilespmem:s22+$0xFFFFFFD0];
	v38 =	vmin.f32 v46, v43  }
0x138: {  	v39 =	vmul.f32 v39, v39;
	v62 =	vmul.f32 v60, v60;
	v45 =	vadd.f32 v48, v45;
	v46 =	vld [tilespmem:s5+$0xFFFFFFC0];
	[tilespmem:s30+$0x30] =	vst v38  }
0x139: {  	v37 =	vsel vm2, v37, v40;
	vm9 =	vgt.f32 v28, v14;
	vm3 =	vgt.f32 v22, v15;
	v63 =	vld [tilespmem:s5+$0x40]  }
0x13a: {  	v20 =	vsel vm0, s28, v20;
	v34 =	vadd.f32 v39, v34;
	v43 =	vadd.f32 v62, v45;
	v56 =	vld [tilespmem:s3+$0x40]  }
0x13b: {  	v14 =	vsel vm9, v28, v14;
	v28 =	vsel vm2, s29, v30;
	v15 =	vsel vm3, v22, v15;
	v53 =	vld [tilespmem:s30+$0x40]  }
0x13c: {  	vm4 =	vgt.f32 v42, v14;
	v32 =	vadd.f32 v32, v34;
	v58 =	vld [tilespmem:s7+$0x40];
	v43 =	vmin.f32 v61, v43  }
0x13d: {  	v13 =	vsel vm3, s31, v13;
	vm5 =	vgt.f32 v23, v15;
	v42 =	vsel vm4, v42, v14;
	v59 =	vld [tilespmem:s7+$0xFFFFFFC0];
	[tilespmem:s22+$0x50] =	vst v43  }
0x13e: {  	v45 =	vsub.f32 v57, v9;
	v44 =	vmin.f32 v44, v32;
	v52 =	vld [tilespmem:s25+$0x60];
	v46 =	vsub.f32 v46, v11  }
0x13f: {  	vm13 =	vgt.f32 v41, v27;
	v62 =	vld [tilespmem:s24+$0x60];
	[tilespmem:s22+$0xFFFFFFD0] =	vst v44;
	v60 =	vsub.f32 v63, v11;
	v61 =	vsub.f32 v56, v9  }
0x140: {  	v45 =	vmul.f32 v45, v45;
	vm10 =	vgt.f32 v44, v21;
	v54 =	vld [tilespmem:s24+$0xFFFFFFE0];
	v46 =	vmul.f32 v46, v46  }
0x141: {  	v63 =	vld [tilespmem:s25+$0xFFFFFFE0];
	v39 =	vsub.f32 v58, v10;
	v32 =	vmul.f32 v60, v60;
	v34 =	vmul.f32 v61, v61  }
0x142: {  	v27 =	vsel vm13, v41, v27;
	v50 =	vsub.f32 v59, v10;
	v21 =	vsel vm10, v44, v21;
	v58 =	vld [tilespmem:s23+$0x60]  }
0x143: {  	v57 =	vld [tilespmem:s23+$0xFFFFFFE0];
	v39 =	vmul.f32 v39, v39;
	v45 =	vadd.f32 v45, v46;
	v32 =	vadd.f32 v34, v32  }
0x144: {  	v55 =	vld [tilespmem:s30+$0xFFFFFFC0];
	vm12 =	vgt.f32 v43, v21;
	v52 =	vsub.f32 v52, v11;
	v48 =	vsub.f32 v62, v9  }
0x145: {  	v56 =	vmul.f32 v50, v50;
	v59 =	vsub.f32 v54, v9;
	v39 =	vadd.f32 v39, v32  }
0x146: {  	v52 =	vmul.f32 v52, v52;
	v48 =	vmul.f32 v48, v48;
	v49 =	vsub.f32 v63, v11  }
0x147: {  	v51 =	vld [tilespmem:s22+$0xFFFFFFE0];
	v45 =	vadd.f32 v56, v45;
	v46 =	vsub.f32 v58, v10;
	v34 =	vmin.f32 v53, v39  }
0x148: {  	v47 =	vld [tilespmem:s22+$0x60];
	v50 =	vsub.f32 v57, v10;
	v48 =	vadd.f32 v48, v52;
	v49 =	vmul.f32 v49, v49;
	[tilespmem:s30+$0x40] =	vst v34  }
0x149: {  	v46 =	vmul.f32 v46, v46;
	v39 =	vmin.f32 v55, v45;
	v53 =	vmul.f32 v59, v59;
	v60 =	vld [tilespmem:s5+$0x50]  }
0x14a: {  	v25 =	vsel vm13, s31, v25;
	v21 =	vsel vm12, v43, v21;
	v50 =	vmul.f32 v50, v50;
	[tilespmem:s30+$0xFFFFFFC0] =	vst v39;
	v61 =	vld [tilespmem:s3+$0x50]  }
0x14b: {  	v46 =	vadd.f32 v46, v48;
	vm8 =	vgt.f32 v39, v42;
	v62 =	vld [tilespmem:s5+$0xFFFFFFD0];
	v49 =	vadd.f32 v53, v49  }
0x14c: {  	v63 =	vld [tilespmem:s7+$0x50];
	v53 =	vsel vm9, s26, v12;
	v12 =	vsel vm5, v23, v15;
	v39 =	vsel vm8, v39, v42  }
0x14d: {  	v56 =	vld [tilespmem:s3+$0xFFFFFFD0];
	v46 =	vmin.f32 v47, v46;
	v23 =	vsel vm4, s28, v53;
	vm4 =	vgt.f32 v38, v27  }
0x14e: {  	v57 =	vld [tilespmem:s7+$0xFFFFFFD0];
	vm9 =	vgt.f32 v34, v39;
	v49 =	vadd.f32 v50, v49;
	v27 =	vsel vm4, v38, v27  }
0x14f: {  	v25 =	vsel vm4, s19, v25;
	v23 =	vsel vm8, s31, v23;
	v34 =	vsel vm9, v34, v39  }
0x150: {  	v23 =	vsel vm9, s19, v23;
	v45 =	vsub.f32 v60, v11;
	v58 =	vsub.f32 v61, v9  }
0x151: {  	v48 =	vmin.f32 v51, v49;
	v59 =	vsub.f32 v63, v10;
	v61 =	vsub.f32 v62, v11  }
0x152: {  	v63 =	vsub.f32 v56, v9;
	v45 =	vmul.f32 v45, v45;
	v60 =	vmul.f32 v58, v58  }
0x153: {  	[tilespmem:s22+$0x60] =	vst v46;
	v62 =	vld [tilespmem:s30+$0x50];
	v50 =	vsub.f32 v57, v10;
	vm14 =	vgt.f32 v48, v17;
	v49 =	vmul.f32 v59, v59  }
0x154: {  	v53 =	vld [tilespmem:s23+$0x70];
	v52 =	vmul.f32 v61, v61;
	v54 =	vmul.f32 v63, v63;
	v45 =	vadd.f32 v60, v45  }
0x155: {  	vm4 =	veq.f32 v12, v31;
	v23 =	vshll.u32 v23, $0x7;
	v57 =	vld [tilespmem:s30+$0xFFFFFFD0];
	v17 =	vsel vm14, v48, v17  }
0x156: {  	v59 =	vld [tilespmem:s25+$0x70];
	v50 =	vmul.f32 v50, v50;
	v58 =	vadd.f32 v54, v52;
	v56 =	vadd.f32 v49, v45  }
0x157: {  	[tilespmem:s22+$0xFFFFFFE0] =	vst v48;
	v23 =	vadd.s32 v23, v4;
	v16 =	vsel vm14, s26, v16;
	v61 =	vld [tilespmem:s24+$0x70];
	vm15 =	vgt.f32 v46, v17  }
0x158: {  	v51 =	vld [tilespmem:s24+$0xFFFFFFF0];
	v60 =	vsel vm0, v26, v18;
	v26 =	vmin.f32 v62, v56;
	v62 =	vadd.f32 v50, v58  }
0x159: {  	v47 =	vld [tilespmem:s25+$0xFFFFFFF0];
	v17 =	vsel vm15, v46, v17;
	v16 =	vsel vm15, s28, v16;
	v18 =	vsel vm1, s19, v33;
	[tilespmem:s30+$0x50] =	vst v26  }
0x15a: {  	vm11 =	vgt.f32 v36, v60;
	v18 =	vshll.u32 v18, $0x7;
	v30 =	vmin.f32 v57, v62;
	v63 =	vld [tilespmem:s5+$0x60]  }
0x15b: {  	v36 =	vsel vm11, v36, v60;
	v20 =	vsel vm11, s31, v20;
	v18 =	vadd.s32 v18, v1;
	v54 =	vld [tilespmem:s3+$0x60];
	[tilespmem:s30+$0xFFFFFFD0] =	vst v30  }
0x15c: {  	v59 =	vsub.f32 v59, v11;
	v33 =	vsub.f32 v61, v9;
	vm6 =	vgt.f32 v29, v36;
	v55 =	vld [tilespmem:s5+$0xFFFFFFE0]  }
0x15d: {  	v58 =	vsub.f32 v51, v9;
	v51 =	vsel vm5, s19, v13;
	v29 =	vsel vm6, v29, v36;
	v56 =	vld [tilespmem:s3+$0xFFFFFFE0]  }
0x15e: {  	v20 =	vsel vm6, s19, v20;
	v43 =	vmul.f32 v59, v59;
	v33 =	vmul.f32 v33, v33;
	v62 =	vld [tilespmem:s7+$0x60]  }
0x15f: {  	vm6 =	vgt.f32 v12, v31;
	v20 =	vshll.u32 v20, $0x7;
	v57 =	vsub.f32 v47, v11;
	v60 =	vld [tilespmem:s7+$0xFFFFFFE0]  }
0x160: {  	vm8 =	veq.f32 v29, v27;
	v33 =	vadd.f32 v33, v43;
	v43 =	vsub.f32 v53, v10  }
0x161: {  	v61 =	vld [tilespmem:s23+$0xFFFFFFF0];
	v47 =	vmul.f32 v58, v58;
	v35 =	vsub.f32 v63, v11;
	v14 =	vsub.f32 v54, v9  }
0x162: {  	v20 =	vadd.s32 v20, v2;
	v15 =	vsub.f32 v55, v11;
	v44 =	vsub.f32 v56, v9  }
0x163: {  	v58 =	vsub.f32 v62, v10;
	v35 =	vmul.f32 v35, v35;
	v14 =	vmul.f32 v14, v14  }
0x164: {  	v40 =	vld [tilespmem:s30+$0x60];
	v54 =	vsub.f32 v60, v10;
	v63 =	vmul.f32 v15, v15;
	v52 =	vmul.f32 v44, v44  }
0x165: {  	v22 =	vld [tilespmem:s30+$0xFFFFFFE0];
	v45 =	vmul.f32 v57, v57;
	v41 =	vmul.f32 v58, v58;
	v14 =	vadd.f32 v14, v35  }
0x166: {  	v57 =	vsub.f32 v61, v10;
	v56 =	vmul.f32 v54, v54;
	v13 =	vadd.f32 v52, v63  }
0x167: {  	v59 =	vld [tilespmem:s22+$0xFFFFFFF0];
	v45 =	vadd.f32 v47, v45;
	v55 =	vsel vm10, s26, v19;
	v14 =	vadd.f32 v41, v14  }
0x168: {  	v60 =	vmul.f32 v43, v43;
	v35 =	vmul.f32 v57, v57;
	v13 =	vadd.f32 v56, v13  }
0x169: {  	vm10 =	vgt.f32 v30, v21;
	v58 =	vshll.u32 v51, $0x7;
	v62 =	vmin.f32 v40, v14  }
0x16a: {  	v21 =	vsel vm10, v30, v21;
	v35 =	vadd.f32 v35, v45;
	[tilespmem:s30+$0x60] =	vst v62;
	v22 =	vmin.f32 v22, v13  }
0x16b: {  	v15 =	vsel vm12, s28, v55;
	v33 =	vadd.f32 v60, v33;
	vm11 =	vgt.f32 v26, v21;
	v47 =	vld [tilespmem:s5+$0x70];
	[tilespmem:s30+$0xFFFFFFE0] =	vst v22  }
0x16c: {  	v15 =	vsel vm10, s31, v15;
	v21 =	vsel vm11, v26, v21;
	v13 =	vmin.f32 v59, v35;
	v61 =	vld [tilespmem:s5+$0xFFFFFFF0]  }
0x16d: {  	v45 =	vmin.f32 v24, v33;
	vm10 =	veq.f32 v34, v21;
	vm5 =	vgt.f32 v13, v37;
	v63 =	vld [tilespmem:s3+$0xFFFFFFF0]  }
0x16e: {  	v48 =	vld [tilespmem:s3+$0x70];
	v59 =	vshll.u32 v25, $0x7;
	vm12 =	vgt.f32 v22, v17;
	v46 =	vsel vm5, v13, v37  }
0x16f: {  	v44 =	vld [tilespmem:s7+$0xFFFFFFF0];
	v28 =	vsel vm5, s26, v28;
	v55 =	vsel vm12, v22, v17;
	v16 =	vsel vm12, s31, v16  }
0x170: {  	v49 =	vld [tilespmem:s7+$0x70];
	v22 =	vadd.s32 v0, v58;
	vm12 =	vgt.f32 v34, v21;
	vm7 =	vgt.f32 v45, v46  }
0x171: {  	vm14 =	vgt.f32 v62, v55;
	vm5 =	vlt.s32 v22, v18;
	v24 =	vsel vm7, v45, v46  }
0x172: {  	v28 =	vsel vm7, s28, v28;
	v50 =	vsub.f32 v61, v11;
	v35 =	vsub.f32 v63, v9  }
0x173: {  	v16 =	vsel vm14, s19, v16;
	v11 =	vsub.f32 v47, v11;
	v9 =	vsub.f32 v48, v9  }
0x174: {  	v38 =	vsub.f32 v44, v10;
	v40 =	vmul.f32 v50, v50;
	v52 =	vmul.f32 v35, v35  }
0x175: {  	v53 =	vld [tilespmem:s30+$0xFFFFFFF0];
	v10 =	vsub.f32 v49, v10;
	v11 =	vmul.f32 v11, v11;
	v9 =	vmul.f32 v9, v9  }
0x176: {  	v32 =	vld [tilespmem:s30+$0x70];
	vm0 =	vmand vm4, vm5;
	v54 =	vmul.f32 v38, v38;
	v33 =	vadd.f32 v52, v40  }
0x177: {  	vm7 =	vgt.f32 v29, v27;
	v10 =	vmul.f32 v10, v10;
	v9 =	vadd.f32 v9, v11  }
0x178: {  	v16 =	vshll.u32 v16, $0x7;
	vm0 =	vmor vm6, vm0;
	v11 =	vadd.f32 v54, v33  }
0x179: {  	v16 =	vadd.s32 v16, v6;
	v12 =	vsel vm0, v12, v31;
	v9 =	vadd.f32 v10, v9  }
0x17a: {  	v18 =	vsel vm0, v22, v18;
	v10 =	vmin.f32 v53, v11;
	v11 =	vsel vm11, s19, v15  }
0x17b: {  	v9 =	vmin.f32 v32, v9;
	v15 =	vsel vm14, v62, v55;
	vm13 =	vgt.f32 v10, v24  }
0x17c: {  	v11 =	vshll.u32 v11, $0x7;
	v56 =	vsel vm13, v10, v24;
	v57 =	vsel vm13, s31, v28  }
0x17d: {  	v24 =	vadd.s32 v59, v3;
	v11 =	vadd.s32 v11, v5;
	vm15 =	vgt.f32 v9, v56  }
0x17e: {  	vm9 =	vlt.s32 v20, v24;
	vm11 =	vlt.s32 v23, v11;
	v17 =	vsel vm15, v9, v56  }
0x17f: {  	v19 =	vsel vm15, s19, v57;
	vm1 =	vmand vm8, vm9;
	vm2 =	vmand vm10, vm11  }
0x180: {  	v19 =	vshll.u32 v19, $0x7;
	vm0 =	vmor vm7, vm1;
	vm1 =	vmor vm12, vm2  }
0x181: {  	vm13 =	veq.f32 v15, v17;
	vm15 =	vgt.f32 v15, v17;
	v19 =	vadd.s32 v19, v7  }
0x182: {  	v60 =	vsel vm0, v29, v27;
	v20 =	vsel vm0, v20, v24;
	vm14 =	vlt.s32 v16, v19  }
0x183: {  	v21 =	vsel vm1, v34, v21;
	v11 =	vsel vm1, v23, v11;
	vm2 =	vmand vm13, vm14  }
0x184: {  	vm6 =	vgt.f32 v12, v60;
	vm7 =	veq.f32 v12, v60;
	vm5 =	vmor vm15, vm2  }
0x185: {  	vm8 =	vlt.s32 v18, v20;
	v15 =	vsel vm5, v15, v17;
	v16 =	vsel vm5, v16, v19  }
0x186: {  	vm1 =	vmand vm7, vm8;
	vm9 =	veq.f32 v21, v15;
	vm10 =	vlt.s32 v11, v16  }
0x187: {  	vm0 =	vmor vm6, vm1;
	vm12 =	vgt.f32 v21, v15;
	vm11 =	vmand vm9, vm10  }
0x188: {  	v12 =	vsel vm0, v12, v60;
	vm1 =	vmor vm12, vm11  }
0x189: {  	v61 =	vsel vm0, v18, v20;
	v15 =	vsel vm1, v21, v15;
	v11 =	vsel vm1, v11, v16  }
0x18a: {  	vm13 =	veq.f32 v12, v15;
	vm1 =	vlt.s32 v61, v11  }
0x18b: {  	vm14 =	vgt.f32 v12, v15;
	vm0 =	vmand vm13, vm1  }
0x18c: {  	vm0 =	vmor vm14, vm0  }
0x18d: {  	v12 =	vsel vm0, v12, v15  }
0x18e: {  	(xrf0) =	vmax.scan.msk.f32 $0xffff, v12;
	_ =	sdelay $0x5  }
0x18f: {  	v62, _, _ =	vpop (xrf0)  }
0x190: {  	v63 =	vbroadcast v62, $0xF  }
0x191: {  	v11 =	vsel vm0, v61, v11  }
0x192: {  	v11 =	vxor.u32 $0x80000000, v11;
	vm15 =	veq.f32 v12, v63  }
0x193: {  	v11 =	vnsel vm15, $0xC0000000, v11  }
0x194: {  	(xrf0) =	vmin.scan.msk.u32 $0xffff, v11;
	_ =	sdelay $0x5  }
0x195: {  	v11, _, _ =	vpop (xrf0)  }
0x196: {  	(v2sf) =	vpush v11, $0xF  }
0x197: {  	(v2sf) =	vpush v62, $0xF;
	_ =	sdelay $0xb  }
0x198: {  	[tilespmem:s22+$0x70] =	vst v45  }
0x199: {  	s24 =	sshll.u32 s21, $0x1;
	[tilespmem:s22+$0xFFFFFFF0] =	vst v13  }
0x19a: {  	s26 =	sand.u32 $0x2, s24;
	[tilespmem:s30+$0xFFFFFFF0] =	vst v10;
	s25 =	spop (v2sf)  }
0x19b: {  	s0 =	sor.u32 s16, s26;
	[tilespmem:s30+$0x70] =	vst v9;
	[sflag:s13] =	ssyncset.done $0x0;
	s28 =	spop (v2sf)  }
0x19c: {  	[smem:s0], [sflag:$0x1] =	smem.add.s32 s28  }
0x19d: {  	_ =	swait.done [sflag:s13]  }
0x19e: {  	[sflag:s13] =	ssyncset.s32 $0x0  }
0x19f: {  	s29 =	sor.u32 $0x1, s26;
	[sflag:s13] =	ssyncset.done $0x0  }
0x1a0: {  	s30 =	sor.u32 s16, s29;
	s0 =	sxor.u32 $0x80000000, s25;
	[sflag:s17] =	ssyncset.done $0x0  }
0x1a1: {  	[smem:s30], [sflag:$0x2] =	smem.add.s32 s0  }
0x1a2: {  	_ =	swait.done [sflag:s17]  }
0x1a3: {  	[sflag:s17] =	ssyncset.s32 $0x0  }
0x1a4: {  	[sflag:s17] =	ssyncset.done $0x0  }
0x1a5: {  	[bflag:$0x0] =	sbarrier.arrive $0xFFFF  }
0x1a6: {  	s1 =	sld [smem:s29+$0x0]  }
0x1a7: {  	s31 =	sld [smem:s26+$0x0]  }
.Ltmp6:
0x1a8: {  	_ = 	snop;
	(pc) =	sbr.rel @p0 .LBB2_11-.Ltmp6, $4  }
0x1a9: {  	s6 =	smov.u32 s0;
	p1 =	slt.s32 s1, s0  }
0x1aa: {  	p2 =	seq.s32 s31, s28;
	s6 =	smov.u32 @p1 s1  }
0x1ab: {  	[smem:s26] =	sst s2;
	p1 =	sgt.s32 s31, s28;
	s0 =	smov.u32 @p2 s6  }
0x1ac: {  	[smem:s26+$0x1] =	sst s2;
	s0 =	smov.u32 @p1 s1;
	s1 =	sadd.s32 $0x1, s21  }
0x1ad: {  	v9 =	vmov s21;
	s21 =	sadd.s32 $0x1, s21  }
0x1ae: {  	p1 =	seq.s32 s21, $0x400  }
.Ltmp7:
0x1af: {  	_ = 	snop;
	(pc) =	sbr.rel @!p1 .LBB2_4-.Ltmp7, $3  }
0x1b0: {  	_ =	sdelay $0x1  }
0x1b1: {  	v10 =	vmov s0  }
0x1b2: {  	[tilespmem:v9+s18+$0x0] =	vst.idx.msk $0x1, v10  }
0x1b3: {  	s0 =	rddreg [dreg:$0x8]  }
.Ltmp8:
0x1b4: {  	s1 =	simm.s32 $0x80;
	s3 =	simm.s32 $0x400;
	(pc) =	sbr.rel .LBB2_9-.Ltmp8, $4  }
0x1b5: {  	[hbm4b:s0+s1] =	stream.strided.scatter [tilespmem:s18], [sflag:$0x1], $0x400, s3, s1, $0x38;
	[tilespmem:$0x3C00] =	vst v63  }
0x1b6: {  	_ =	swait.ge [sflag:s13], $0x400  }
0x1b7: {  	[sflag:s13] =	ssyncset.done $0x0  }
0x1b8: {  	[sflag:s13] =	ssyncadd.s32 $0xFFFFFC00  }
.LBB2_10:
0x1b9: {  	_ =	sfence.sel $0x180000  }
0x1ba: {  	[bflag:$0x0] =	sbarrier.arrive $0xFFFF  }
0x1bb: {  	_ =	strace $0x90000047  }
0x1bc: {  	s0 =	stileid.u32;
	[bflag:$0x2] =	sbarrier.arrive $0xFFFF  }
0x1bd: {  	p0 =	sne.s32 s0, $0x0;
	s0 =	rddreg [dreg:$0x4]  }
0x1be: {  	s0 =	sadd.s32 @!p0 $0x100000, s0  }
0x1bf: {  	[sflag:s0] =	ssyncadd.tile.s32 @!p0 $0x1;
	_ =	shalt  }
.Lfunc_end2:
_tile_overlayer_lowered:
.L_overlay_start_2:
0x1c0: {  	(tag) =	ssettag $0x2  }
0x1c1: {  	s0 =	rddreg [dreg:$0x0];
	s2 =	stileid.u32  }
0x1c2: {  	s1 =	rddreg [dreg:$0x1];
	p0 =	sne.s32 s2, $0x0  }
0x1c3: {  	s3 =	rddreg [dreg:$0x2];
	[bflag:$0x3] =	sbarrier.arrive $0xFFFF;
	s2 =	simm.s32 @!p0 $0x1C01  }
0x1c4: {  	[timem:s3], [sflag:s2] =	dma.local @!p0 [hbm:s0], s1  }
0x1c5: {  	s0 =	simm.s32 @!p0 $0x1  }
0x1c6: {  	_ =	swait.ge @!p0 [sflag:s0], s1  }
0x1c7: {  	s1 =	ssub.s32 @!p0 $0x0, s1;
	[sflag:s0] =	ssyncset.done @!p0 $0x0  }
0x1c8: {  	[sflag:s0] =	ssyncadd.s32 @!p0 s1  }
0x1c9: {  	[bflag:$0x3] =	sbarrier.arrive $0xFFFF  }
0x1ca: {  	_ =	shalt  }

</sc_bundles>
